<compile_context>
chip_gen: v7x
topology: tpu7x:2x2x1
jax: 0.10.2.dev20260603
libtpu: 0.0.44.dev20260713+nightly
codegen_flags: <defaults>
</compile_context>

<pallas_src>
import functools

import jax
import jax.numpy as jnp
from jax import lax
from jax.experimental import pallas as pl
from jax.experimental.pallas import tpu as pltpu
from jax.experimental.pallas import tpu_sc as plsc

_NUM_BINS = 256
_B = 16
_W = 512
_ROWS = 16 * 3 * 512
_RPI = _ROWS // _B
_RPW = _RPI // 2
_CROWS = 64
_NCHUNK = _RPW // _CROWS
_LANES = 16
_U = 8
_SUB = 2 * _NUM_BINS
_HBINS = _U * _SUB
_NW = 32
_PIX = _RPI * _W


def _hist_body(x_hbm, y_hbm, out_hbm, buf0, buf1, hist, sem0, sem1):
    wid = lax.axis_index("s") * 2 + lax.axis_index("c")
    row0 = wid * _RPW
    out_row = (wid % 2) * _B + wid // 2

    ones = jnp.full((_LANES,), 1.0, jnp.float32)
    zeros = jnp.zeros((_LANES,), jnp.float32)

    def zero_body(i, _):
        hist[pl.ds(i * _LANES, _LANES)] = zeros
        return 0

    lax.fori_loop(0, _HBINS // _LANES, zero_body, 0)

    bufs = (buf0, buf1)
    sems = (sem0, sem1)
    nch = 2 * _NCHUNK

    def start(chunk, b):
        r = row0 + (chunk - _NCHUNK * (chunk >= _NCHUNK)) * _CROWS

        @pl.when(chunk < _NCHUNK)
        def _():
            pltpu.async_copy(x_hbm.at[pl.ds(r, _CROWS), :], bufs[b], sems[b])

        @pl.when(jnp.logical_and(chunk >= _NCHUNK, chunk < nch))
        def _():
            pltpu.async_copy(y_hbm.at[pl.ds(r, _CROWS), :], bufs[b],
                             sems[b])

    def consume(buf, bin_off):
        nbody = (_CROWS * _W) // (_LANES * _U)

        def load8(i):
            r = i >> 2
            cb = (i & 3) * (_U * _LANES)
            return tuple(buf[r, pl.ds(cb + j * _LANES, _LANES)]
                         for j in range(_U))

        def do8(vs):
            idxs = []
            for v in vs:
                t = ((v * 255.0) / 255.0) * 256.0
                t = jnp.minimum(t, jnp.float32(_NUM_BINS - 1))
                idxs.append(t.astype(jnp.int32))
            for j, idx in enumerate(idxs):
                plsc.addupdate_scatter(
                    hist.at[pl.ds(bin_off + j * _SUB, _NUM_BINS)], [idx],
                    ones)

        def body(i, vs):
            nxt = load8(i + 1)
            do8(vs)
            return nxt

        do8(lax.fori_loop(0, nbody - 1, body, load8(0)))

    start(jnp.int32(0), 0)
    start(jnp.int32(1), 1)

    def chunk_body(c2, _):
        chunk = c2 * 2
        for b in range(2):
            ck = chunk + b
            pltpu.make_async_copy(x_hbm.at[pl.ds(0, _CROWS), :], bufs[b],
                                  sems[b]).wait()
            bin_off = jnp.where(ck < _NCHUNK, 0, _NUM_BINS)
            consume(bufs[b], bin_off)
            start(ck + 2, b)
        return 0

    lax.fori_loop(0, _NCHUNK, chunk_body, 0)

    pltpu.sync_copy(hist, out_hbm.at[out_row])


_hist_kernel = functools.partial(
    pl.kernel,
    out_type=jax.ShapeDtypeStruct((_NW, _HBINS), jnp.float32),
    mesh=plsc.VectorSubcoreMesh(core_axis_name="c", subcore_axis_name="s"),
    compiler_params=pltpu.CompilerParams(needs_layout_passes=False),
    scratch_types=[
        pltpu.VMEM((_CROWS, _W), jnp.float32),
        pltpu.VMEM((_CROWS, _W), jnp.float32),
        pltpu.VMEM((_HBINS,), jnp.float32),
        pltpu.SemaphoreType.DMA,
        pltpu.SemaphoreType.DMA,
    ],
)(_hist_body)


def _loss_body(h_ref, o_ref):
    h = h_ref[...]
    acc = h[:, 0:_SUB]
    for j in range(1, _U):
        acc = acc + h[:, j * _SUB:(j + 1) * _SUB]
    full = acc[0:_B, :] + acc[_B:2 * _B, :]
    hn = full / jnp.float32(_PIX)
    s = jnp.sqrt(hn)
    d = jnp.sum(s[:, 0:_NUM_BINS] - s[:, _NUM_BINS:_SUB])
    o_ref[...] = jnp.reshape(jnp.clip(d * d, 0.0, 1.0), (1, 1))


def kernel(x, y):
    hists = _hist_kernel(x.reshape(_ROWS, _W), y.reshape(_ROWS, _W))
    loss = pl.pallas_call(
        _loss_body,
        out_shape=jax.ShapeDtypeStruct((1, 1), jnp.float32),
    )(hists)
    return jnp.reshape(loss, ())

# --- scband reference (transcript-rebuilt; emitter-appended) ---
"""Pipeline reference for scband-histogram-loss-17884243821446 (READ-ONLY COPY).

The authoritative reference and input builder live on the scoring server;
editing this copy changes nothing except your own understanding.
"""

import jax, jax.numpy as jnp
import numpy as np

NUM_BINS = 256
MARGIN = 1.0


def _compute_histogram(img):
    # img: [B, C, H, W] in [0, 1]; torch.histc(img[i]*255, bins=256, min=0, max=255)
    B = img.shape[0]
    flat = img.reshape(B, -1) * 255.0
    # torch.histc bin index: floor((v - min) / (max - min) * bins), value==max goes to last bin
    idx = jnp.floor(flat / 255.0 * NUM_BINS).astype(jnp.int32)
    idx = jnp.clip(idx, 0, NUM_BINS - 1)
    idx = jax.lax.stop_gradient(idx)
    hist = jnp.zeros((B, NUM_BINS), dtype=jnp.float32).at[jnp.arange(B)[:, None], idx].add(1.0)
    hist = hist / jnp.sum(hist, axis=1, keepdims=True)
    # torch.stack(hist_list, dim=1) -> [num_bins, B]
    return hist.T


def setup_inputs(seed: int = 0) -> dict:
    key = jax.random.key(seed)
    k1, k2 = jax.random.split(key)
    x = jax.random.uniform(k1, (16, 3, 512, 512), dtype=jnp.float32)
    y = jax.random.uniform(k2, (16, 3, 512, 512), dtype=jnp.float32)
    return {"x": x, "y": y}


def reference(x, y):
    hist_x = _compute_histogram(x)
    hist_y = _compute_histogram(y)
    loss = jnp.sum(jnp.sqrt(hist_x) - jnp.sqrt(hist_y)) ** 2
    loss = jnp.clip(loss, 0.0, MARGIN)
    return loss

if __name__ == "__main__":
    import jax
    _d = setup_inputs()
    print(jax.jit(kernel)(*tuple(_d.values())))

</pallas_src>

<mosaic_0001>
#map = affine_map<(d0, d1) -> (0, 0)>
module attributes {stable_mosaic.version = 14 : i64} {
  func.func @_hist_body(%arg0: i32, %arg1: i32, %arg2: memref<24576x512xf32, #tpu.memory_space<hbm>>, %arg3: memref<24576x512xf32, #tpu.memory_space<hbm>>, %arg4: memref<32x4096xf32, #tpu.memory_space<hbm>>, %arg5: memref<64x512xf32, #tpu.memory_space<vmem>>, %arg6: memref<64x512xf32, #tpu.memory_space<vmem>>, %arg7: memref<4096xf32, #tpu.memory_space<vmem>>, %arg8: memref<!tpu.dma_semaphore, #tpu.memory_space<semaphore_mem>>, %arg9: memref<!tpu.dma_semaphore, #tpu.memory_space<semaphore_mem>>) attributes {dimension_semantics = [#tpu.dimension_semantics<core_parallel>, #tpu.dimension_semantics<subcore_parallel>], iteration_bounds = array<i64: 2, 16>, scalar_prefetch = 0 : i64, scratch_operands = 5 : i64, tpu.core_type = #tpu.core_type<sc_vector_subcore>, window_params = [{transform_indices = #map}, {transform_indices = #map}, {transform_indices = #map}]} {
    %mul3A = arith.constant 2 : i32
    %mul3A_0 = arith.muli %arg1, %mul3A : i32
    %add3A = arith.addi %mul3A_0, %arg0 : i32
    %mul3A_1 = arith.constant 768 : i32
    %mul3A_2 = arith.muli %add3A, %mul3A_1 : i32
    %jit3A = arith.constant 2 : i32
    %eq3A = arith.constant 0 : i32
    %eq3A_3 = arith.cmpi eq, %jit3A, %eq3A : i32
    %jit3A_4 = arith.constant 1 : i32
    %select_n3A = arith.select %eq3A_3, %jit3A_4, %jit3A : i32
    %rem3A = arith.remsi %add3A, %select_n3A : i32
    %ne3A = arith.constant 0 : i32
    %ne3A_5 = arith.cmpi ne, %rem3A, %ne3A : i32
    %lt3A = arith.constant 0 : i32
    %lt3A_6 = arith.cmpi slt, %rem3A, %lt3A : i32
    %lt3A_7 = arith.constant 0 : i32
    %lt3A_8 = arith.cmpi slt, %select_n3A, %lt3A_7 : i32
    %ne3A_9 = arith.xori %lt3A_6, %lt3A_8 : i1
    %and3A = arith.andi %ne3A_9, %ne3A_5 : i1
    %add3A_10 = arith.addi %rem3A, %select_n3A : i32
    %select_n3A_11 = arith.select %and3A, %add3A_10, %rem3A : i32
    %mul3A_12 = arith.constant 16 : i32
    %mul3A_13 = arith.muli %select_n3A_11, %mul3A_12 : i32
    %jit3A_14 = arith.constant 2 : i32
    %div3A = arith.divsi %add3A, %jit3A_14 : i32
    %sign3A = arith.constant 0 : i32
    %sign3A_15 = arith.cmpi sgt, %add3A, %sign3A : i32
    %sign3A_16 = arith.extui %sign3A_15 : i1 to i32
    %sign3A_17 = arith.constant 0 : i32
    %sign3A_18 = arith.cmpi slt, %add3A, %sign3A_17 : i32
    %sign3A_19 = arith.extui %sign3A_18 : i1 to i32
    %sign3A_20 = arith.subi %sign3A_16, %sign3A_19 : i32
    %sign3A_21 = arith.constant 0 : i32
    %sign3A_22 = arith.cmpi sgt, %jit3A_14, %sign3A_21 : i32
    %sign3A_23 = arith.extui %sign3A_22 : i1 to i32
    %sign3A_24 = arith.constant 0 : i32
    %sign3A_25 = arith.cmpi slt, %jit3A_14, %sign3A_24 : i32
    %sign3A_26 = arith.extui %sign3A_25 : i1 to i32
    %sign3A_27 = arith.subi %sign3A_23, %sign3A_26 : i32
    %ne3A_28 = arith.cmpi ne, %sign3A_20, %sign3A_27 : i32
    %rem3A_29 = arith.remsi %add3A, %jit3A_14 : i32
    %ne3A_30 = arith.constant 0 : i32
    %ne3A_31 = arith.cmpi ne, %rem3A_29, %ne3A_30 : i32
    %and3A_32 = arith.andi %ne3A_28, %ne3A_31 : i1
    %sub3A = arith.constant 1 : i32
    %sub3A_33 = arith.subi %div3A, %sub3A : i32
    %select_n3A_34 = arith.select %and3A_32, %sub3A_33, %div3A : i32
    %add3A_35 = arith.addi %mul3A_13, %select_n3A_34 : i32
    %broadcast_in_dim3A = arith.constant 1.000000e+00 : f32
    %broadcast_in_dim3A_36 = vector.broadcast %broadcast_in_dim3A : f32 to vector<16xf32>
    %broadcast_in_dim3A_37 = arith.constant 0.000000e+00 : f32
    %broadcast_in_dim3A_38 = vector.broadcast %broadcast_in_dim3A_37 : f32 to vector<16xf32>
    %scan3A = arith.constant 0 : i32
    %scan3A_39 = arith.constant 0 : i32
    %scan3A_40 = arith.constant 256 : i32
    %scan3A_41 = arith.addi %scan3A_39, %scan3A_40 : i32
    %scan3A_42 = arith.constant 1 : i32
    %scan3A_43 = scf.for %scan3A_103 = %scan3A_39 to %scan3A_41 step %scan3A_42 iter_args(%scan3A_104 = %scan3A) -> (i32)  : i32 {
      %mul3A_105 = arith.constant 16 : i32
      %mul3A_106 = arith.muli %scan3A_103, %mul3A_105 : i32
      %swap3A = arith.index_cast %mul3A_106 : i32 to index
      %swap3A_107 = tpu.vector_load %arg7[%swap3A] {strides = array<i32>} : memref<4096xf32, #tpu.memory_space<vmem>>, vector<16xf32>,
      tpu.vector_store %arg7[%swap3A], %broadcast_in_dim3A_38 {strides = array<i32>} : memref<4096xf32, #tpu.memory_space<vmem>>, vector<16xf32>,
      %scan3A_108 = arith.constant 0 : i32
      scf.yield %scan3A_108 : i32
    }
    %scan3A_44 = arith.constant 256 : i32
    %ge3A = arith.constant 0 : i32
    %ge3A_45 = arith.constant 12 : i32
    %ge3A_46 = arith.cmpi sge, %ge3A, %ge3A_45 : i32
    %convert_element_type3A = arith.extui %ge3A_46 : i1 to i32
    %mul3A_47 = arith.constant 12 : i32
    %mul3A_48 = arith.muli %mul3A_47, %convert_element_type3A : i32
    %sub3A_49 = arith.constant 0 : i32
    %sub3A_50 = arith.subi %sub3A_49, %mul3A_48 : i32
    %mul3A_51 = arith.constant 64 : i32
    %mul3A_52 = arith.muli %sub3A_50, %mul3A_51 : i32
    %add3A_53 = arith.addi %mul3A_2, %mul3A_52 : i32
    %lt3A_54 = arith.constant 0 : i32
    %lt3A_55 = arith.constant 12 : i32
    %lt3A_56 = arith.cmpi slt, %lt3A_54, %lt3A_55 : i32
    %convert_element_type3A_57 = arith.extui %lt3A_56 : i1 to i32
    %cond3A = arith.constant 0 : i32
    %cond3A_58 = arith.cmpi ne, %convert_element_type3A_57, %cond3A : i32
    scf.if %cond3A_58 {
      %dma_start3A = arith.constant 0 : i32
      %dma_start3A_103 = tpu.memref_slice %arg2[%add3A_53, %dma_start3A] : memref<24576x512xf32, #tpu.memory_space<hbm>> -> memref<64x512xf32, #tpu.memory_space<hbm>>
      %dma_start3A_104 = arith.constant 0 : i32
      %dma_start3A_105 = tpu.memref_slice %arg2[%add3A_53, %dma_start3A_104] : memref<24576x512xf32, #tpu.memory_space<hbm>> -> memref<64x512xf32, #tpu.memory_space<hbm>>
      tpu.enqueue_dma source(%dma_start3A_105 : memref<64x512xf32, #tpu.memory_space<hbm>>) target(%arg5 : memref<64x512xf32, #tpu.memory_space<vmem>>) target_semaphore(%arg8 : memref<!tpu.dma_semaphore, #tpu.memory_space<semaphore_mem>>)
    } else {
    }
    %ge3A_59 = arith.constant 0 : i32
    %ge3A_60 = arith.constant 12 : i32
    %ge3A_61 = arith.cmpi sge, %ge3A_59, %ge3A_60 : i32
    %lt3A_62 = arith.constant 0 : i32
    %lt3A_63 = arith.constant 24 : i32
    %lt3A_64 = arith.cmpi slt, %lt3A_62, %lt3A_63 : i32
    %and3A_65 = arith.andi %ge3A_61, %lt3A_64 : i1
    %convert_element_type3A_66 = arith.extui %and3A_65 : i1 to i32
    %cond3A_67 = arith.constant 0 : i32
    %cond3A_68 = arith.cmpi ne, %convert_element_type3A_66, %cond3A_67 : i32
    scf.if %cond3A_68 {
      %dma_start3A = arith.constant 0 : i32
      %dma_start3A_103 = tpu.memref_slice %arg3[%add3A_53, %dma_start3A] : memref<24576x512xf32, #tpu.memory_space<hbm>> -> memref<64x512xf32, #tpu.memory_space<hbm>>
      %dma_start3A_104 = arith.constant 0 : i32
      %dma_start3A_105 = tpu.memref_slice %arg3[%add3A_53, %dma_start3A_104] : memref<24576x512xf32, #tpu.memory_space<hbm>> -> memref<64x512xf32, #tpu.memory_space<hbm>>
      tpu.enqueue_dma source(%dma_start3A_105 : memref<64x512xf32, #tpu.memory_space<hbm>>) target(%arg5 : memref<64x512xf32, #tpu.memory_space<vmem>>) target_semaphore(%arg8 : memref<!tpu.dma_semaphore, #tpu.memory_space<semaphore_mem>>)
    } else {
    }
    %ge3A_69 = arith.constant 1 : i32
    %ge3A_70 = arith.constant 12 : i32
    %ge3A_71 = arith.cmpi sge, %ge3A_69, %ge3A_70 : i32
    %convert_element_type3A_72 = arith.extui %ge3A_71 : i1 to i32
    %mul3A_73 = arith.constant 12 : i32
    %mul3A_74 = arith.muli %mul3A_73, %convert_element_type3A_72 : i32
    %sub3A_75 = arith.constant 1 : i32
    %sub3A_76 = arith.subi %sub3A_75, %mul3A_74 : i32
    %mul3A_77 = arith.constant 64 : i32
    %mul3A_78 = arith.muli %sub3A_76, %mul3A_77 : i32
    %add3A_79 = arith.addi %mul3A_2, %mul3A_78 : i32
    %lt3A_80 = arith.constant 1 : i32
    %lt3A_81 = arith.constant 12 : i32
    %lt3A_82 = arith.cmpi slt, %lt3A_80, %lt3A_81 : i32
    %convert_element_type3A_83 = arith.extui %lt3A_82 : i1 to i32
    %cond3A_84 = arith.constant 0 : i32
    %cond3A_85 = arith.cmpi ne, %convert_element_type3A_83, %cond3A_84 : i32
    scf.if %cond3A_85 {
      %dma_start3A = arith.constant 0 : i32
      %dma_start3A_103 = tpu.memref_slice %arg2[%add3A_79, %dma_start3A] : memref<24576x512xf32, #tpu.memory_space<hbm>> -> memref<64x512xf32, #tpu.memory_space<hbm>>
      %dma_start3A_104 = arith.constant 0 : i32
      %dma_start3A_105 = tpu.memref_slice %arg2[%add3A_79, %dma_start3A_104] : memref<24576x512xf32, #tpu.memory_space<hbm>> -> memref<64x512xf32, #tpu.memory_space<hbm>>
      tpu.enqueue_dma source(%dma_start3A_105 : memref<64x512xf32, #tpu.memory_space<hbm>>) target(%arg6 : memref<64x512xf32, #tpu.memory_space<vmem>>) target_semaphore(%arg9 : memref<!tpu.dma_semaphore, #tpu.memory_space<semaphore_mem>>)
    } else {
    }
    %ge3A_86 = arith.constant 1 : i32
    %ge3A_87 = arith.constant 12 : i32
    %ge3A_88 = arith.cmpi sge, %ge3A_86, %ge3A_87 : i32
    %lt3A_89 = arith.constant 1 : i32
    %lt3A_90 = arith.constant 24 : i32
    %lt3A_91 = arith.cmpi slt, %lt3A_89, %lt3A_90 : i32
    %and3A_92 = arith.andi %ge3A_88, %lt3A_91 : i1
    %convert_element_type3A_93 = arith.extui %and3A_92 : i1 to i32
    %cond3A_94 = arith.constant 0 : i32
    %cond3A_95 = arith.cmpi ne, %convert_element_type3A_93, %cond3A_94 : i32
    scf.if %cond3A_95 {
      %dma_start3A = arith.constant 0 : i32
      %dma_start3A_103 = tpu.memref_slice %arg3[%add3A_79, %dma_start3A] : memref<24576x512xf32, #tpu.memory_space<hbm>> -> memref<64x512xf32, #tpu.memory_space<hbm>>
      %dma_start3A_104 = arith.constant 0 : i32
      %dma_start3A_105 = tpu.memref_slice %arg3[%add3A_79, %dma_start3A_104] : memref<24576x512xf32, #tpu.memory_space<hbm>> -> memref<64x512xf32, #tpu.memory_space<hbm>>
      tpu.enqueue_dma source(%dma_start3A_105 : memref<64x512xf32, #tpu.memory_space<hbm>>) target(%arg6 : memref<64x512xf32, #tpu.memory_space<vmem>>) target_semaphore(%arg9 : memref<!tpu.dma_semaphore, #tpu.memory_space<semaphore_mem>>)
    } else {
    }
    %scan3A_96 = arith.constant 0 : i32
    %scan3A_97 = arith.constant 0 : i32
    %scan3A_98 = arith.constant 12 : i32
    %scan3A_99 = arith.addi %scan3A_97, %scan3A_98 : i32
    %scan3A_100 = arith.constant 1 : i32
    %scan3A_101 = scf.for %scan3A_103 = %scan3A_97 to %scan3A_99 step %scan3A_100 iter_args(%scan3A_104 = %scan3A_96) -> (i32)  : i32 {
      %mul3A_105 = arith.constant 2 : i32
      %mul3A_106 = arith.muli %scan3A_103, %mul3A_105 : i32
      %add3A_107 = arith.constant 0 : i32
      %add3A_108 = arith.addi %mul3A_106, %add3A_107 : i32
      %dma_wait3A = arith.constant 0 : i32
      %dma_wait3A_109 = arith.constant 0 : i32
      %dma_wait3A_110 = tpu.memref_slice %arg2[%dma_wait3A, %dma_wait3A_109] : memref<24576x512xf32, #tpu.memory_space<hbm>> -> memref<64x512xf32, #tpu.memory_space<hbm>>
      %dma_wait3A_111 = arith.constant 0 : i32
      %dma_wait3A_112 = arith.constant 0 : i32
      %dma_wait3A_113 = tpu.memref_slice %arg2[%dma_wait3A_111, %dma_wait3A_112] : memref<24576x512xf32, #tpu.memory_space<hbm>> -> memref<64x512xf32, #tpu.memory_space<hbm>>
      tpu.wait_dma2 semaphore(%arg8 : memref<!tpu.dma_semaphore, #tpu.memory_space<semaphore_mem>>) src(%dma_wait3A_113 : memref<64x512xf32, #tpu.memory_space<hbm>>) dst(%arg5 : memref<64x512xf32, #tpu.memory_space<vmem>>)
      %lt3A_114 = arith.constant 12 : i32
      %lt3A_115 = arith.cmpi slt, %add3A_108, %lt3A_114 : i32
      %jit3A_116 = arith.constant 0 : i32
      %jit3A_117 = arith.constant 256 : i32
      %select_n3A_118 = arith.select %lt3A_115, %jit3A_116, %jit3A_117 : i32
      %get3A = arith.constant 0 : i32
      %get3A_119 = arith.index_cast %get3A : i32 to index
      %get3A_120 = arith.constant 0 : index
      %get3A_121 = tpu.vector_load %arg5[%get3A_119, %get3A_120] {strides = array<i32>} : memref<64x512xf32, #tpu.memory_space<vmem>>, vector<16xf32>,
      %get3A_122 = arith.constant 0 : i32
      %get3A_123 = arith.index_cast %get3A_122 : i32 to index
      %get3A_124 = arith.constant 16 : index
      %get3A_125 = tpu.vector_load %arg5[%get3A_123, %get3A_124] {strides = array<i32>} : memref<64x512xf32, #tpu.memory_space<vmem>>, vector<16xf32>,
      %get3A_126 = arith.constant 0 : i32
      %get3A_127 = arith.index_cast %get3A_126 : i32 to index
      %get3A_128 = arith.constant 32 : index
      %get3A_129 = tpu.vector_load %arg5[%get3A_127, %get3A_128] {strides = array<i32>} : memref<64x512xf32, #tpu.memory_space<vmem>>, vector<16xf32>,
      %get3A_130 = arith.constant 0 : i32
      %get3A_131 = arith.index_cast %get3A_130 : i32 to index
      %get3A_132 = arith.constant 48 : index
      %get3A_133 = tpu.vector_load %arg5[%get3A_131, %get3A_132] {strides = array<i32>} : memref<64x512xf32, #tpu.memory_space<vmem>>, vector<16xf32>,
      %get3A_134 = arith.constant 0 : i32
      %get3A_135 = arith.index_cast %get3A_134 : i32 to index
      %get3A_136 = arith.constant 64 : index
      %get3A_137 = tpu.vector_load %arg5[%get3A_135, %get3A_136] {strides = array<i32>} : memref<64x512xf32, #tpu.memory_space<vmem>>, vector<16xf32>,
      %get3A_138 = arith.constant 0 : i32
      %get3A_139 = arith.index_cast %get3A_138 : i32 to index
      %get3A_140 = arith.constant 80 : index
      %get3A_141 = tpu.vector_load %arg5[%get3A_139, %get3A_140] {strides = array<i32>} : memref<64x512xf32, #tpu.memory_space<vmem>>, vector<16xf32>,
      %get3A_142 = arith.constant 0 : i32
      %get3A_143 = arith.index_cast %get3A_142 : i32 to index
      %get3A_144 = arith.constant 96 : index
      %get3A_145 = tpu.vector_load %arg5[%get3A_143, %get3A_144] {strides = array<i32>} : memref<64x512xf32, #tpu.memory_space<vmem>>, vector<16xf32>,
      %get3A_146 = arith.constant 0 : i32
      %get3A_147 = arith.index_cast %get3A_146 : i32 to index
      %get3A_148 = arith.constant 112 : index
      %get3A_149 = tpu.vector_load %arg5[%get3A_147, %get3A_148] {strides = array<i32>} : memref<64x512xf32, #tpu.memory_space<vmem>>, vector<16xf32>,
      %scan3A_150 = arith.constant 0 : i32
      %scan3A_151 = arith.constant 255 : i32
      %scan3A_152 = arith.addi %scan3A_150, %scan3A_151 : i32
      %scan3A_153 = arith.constant 1 : i32
      %scan3A_154:8 = scf.for %scan3A_510 = %scan3A_150 to %scan3A_152 step %scan3A_153 iter_args(%scan3A_511 = %get3A_121, %scan3A_512 = %get3A_125, %scan3A_513 = %get3A_129, %scan3A_514 = %get3A_133, %scan3A_515 = %get3A_137, %scan3A_516 = %get3A_141, %scan3A_517 = %get3A_145, %scan3A_518 = %get3A_149) -> (vector<16xf32>, vector<16xf32>, vector<16xf32>, vector<16xf32>, vector<16xf32>, vector<16xf32>, vector<16xf32>, vector<16xf32>)  : i32 {
        %add3A_519 = arith.constant 1 : i32
        %add3A_520 = arith.addi %scan3A_510, %add3A_519 : i32
        %shift_right_arithmetic3A = arith.constant 2 : i32
        %shift_right_arithmetic3A_521 = arith.shrsi %add3A_520, %shift_right_arithmetic3A : i32
        %and3A_522 = arith.constant 3 : i32
        %and3A_523 = arith.andi %add3A_520, %and3A_522 : i32
        %mul3A_524 = arith.constant 128 : i32
        %mul3A_525 = arith.muli %and3A_523, %mul3A_524 : i32
        %add3A_526 = arith.constant 0 : i32
        %add3A_527 = arith.addi %mul3A_525, %add3A_526 : i32
        %get3A_528 = arith.index_cast %shift_right_arithmetic3A_521 : i32 to index
        %get3A_529 = arith.index_cast %add3A_527 : i32 to index
        %get3A_530 = tpu.vector_load %arg5[%get3A_528, %get3A_529] {strides = array<i32>} : memref<64x512xf32, #tpu.memory_space<vmem>>, vector<16xf32>,
        %add3A_531 = arith.constant 16 : i32
        %add3A_532 = arith.addi %mul3A_525, %add3A_531 : i32
        %get3A_533 = arith.index_cast %shift_right_arithmetic3A_521 : i32 to index
        %get3A_534 = arith.index_cast %add3A_532 : i32 to index
        %get3A_535 = tpu.vector_load %arg5[%get3A_533, %get3A_534] {strides = array<i32>} : memref<64x512xf32, #tpu.memory_space<vmem>>, vector<16xf32>,
        %add3A_536 = arith.constant 32 : i32
        %add3A_537 = arith.addi %mul3A_525, %add3A_536 : i32
        %get3A_538 = arith.index_cast %shift_right_arithmetic3A_521 : i32 to index
        %get3A_539 = arith.index_cast %add3A_537 : i32 to index
        %get3A_540 = tpu.vector_load %arg5[%get3A_538, %get3A_539] {strides = array<i32>} : memref<64x512xf32, #tpu.memory_space<vmem>>, vector<16xf32>,
        %add3A_541 = arith.constant 48 : i32
        %add3A_542 = arith.addi %mul3A_525, %add3A_541 : i32
        %get3A_543 = arith.index_cast %shift_right_arithmetic3A_521 : i32 to index
        %get3A_544 = arith.index_cast %add3A_542 : i32 to index
        %get3A_545 = tpu.vector_load %arg5[%get3A_543, %get3A_544] {strides = array<i32>} : memref<64x512xf32, #tpu.memory_space<vmem>>, vector<16xf32>,
        %add3A_546 = arith.constant 64 : i32
        %add3A_547 = arith.addi %mul3A_525, %add3A_546 : i32
        %get3A_548 = arith.index_cast %shift_right_arithmetic3A_521 : i32 to index
        %get3A_549 = arith.index_cast %add3A_547 : i32 to index
        %get3A_550 = tpu.vector_load %arg5[%get3A_548, %get3A_549] {strides = array<i32>} : memref<64x512xf32, #tpu.memory_space<vmem>>, vector<16xf32>,
        %add3A_551 = arith.constant 80 : i32
        %add3A_552 = arith.addi %mul3A_525, %add3A_551 : i32
        %get3A_553 = arith.index_cast %shift_right_arithmetic3A_521 : i32 to index
        %get3A_554 = arith.index_cast %add3A_552 : i32 to index
        %get3A_555 = tpu.vector_load %arg5[%get3A_553, %get3A_554] {strides = array<i32>} : memref<64x512xf32, #tpu.memory_space<vmem>>, vector<16xf32>,
        %add3A_556 = arith.constant 96 : i32
        %add3A_557 = arith.addi %mul3A_525, %add3A_556 : i32
        %get3A_558 = arith.index_cast %shift_right_arithmetic3A_521 : i32 to index
        %get3A_559 = arith.index_cast %add3A_557 : i32 to index
        %get3A_560 = tpu.vector_load %arg5[%get3A_558, %get3A_559] {strides = array<i32>} : memref<64x512xf32, #tpu.memory_space<vmem>>, vector<16xf32>,
        %add3A_561 = arith.constant 112 : i32
        %add3A_562 = arith.addi %mul3A_525, %add3A_561 : i32
        %get3A_563 = arith.index_cast %shift_right_arithmetic3A_521 : i32 to index
        %get3A_564 = arith.index_cast %add3A_562 : i32 to index
        %get3A_565 = tpu.vector_load %arg5[%get3A_563, %get3A_564] {strides = array<i32>} : memref<64x512xf32, #tpu.memory_space<vmem>>, vector<16xf32>,
        %mul3A_566 = arith.constant 2.550000e+02 : f32
        %mul3A_567 = vector.broadcast %mul3A_566 : f32 to vector<16xf32>
        %mul3A_568 = arith.mulf %scan3A_511, %mul3A_567 : vector<16xf32>
        %div3A_569 = arith.constant 2.550000e+02 : f32
        %div3A_570 = vector.broadcast %div3A_569 : f32 to vector<16xf32>
        %div3A_571 = arith.divf %mul3A_568, %div3A_570 : vector<16xf32>
        %mul3A_572 = arith.constant 2.560000e+02 : f32
        %mul3A_573 = vector.broadcast %mul3A_572 : f32 to vector<16xf32>
        %mul3A_574 = arith.mulf %div3A_571, %mul3A_573 : vector<16xf32>
        %min3A_575 = arith.constant 2.550000e+02 : f32
        %min3A_576 = vector.broadcast %min3A_575 : f32 to vector<16xf32>
        %min3A_577 = arith.minimumf %mul3A_574, %min3A_576 : vector<16xf32>
        %convert_element_type3A_578 = arith.fptosi %min3A_577 : vector<16xf32> to vector<16xi32>
        %mul3A_579 = arith.constant 2.550000e+02 : f32
        %mul3A_580 = vector.broadcast %mul3A_579 : f32 to vector<16xf32>
        %mul3A_581 = arith.mulf %scan3A_512, %mul3A_580 : vector<16xf32>
        %div3A_582 = arith.constant 2.550000e+02 : f32
        %div3A_583 = vector.broadcast %div3A_582 : f32 to vector<16xf32>
        %div3A_584 = arith.divf %mul3A_581, %div3A_583 : vector<16xf32>
        %mul3A_585 = arith.constant 2.560000e+02 : f32
        %mul3A_586 = vector.broadcast %mul3A_585 : f32 to vector<16xf32>
        %mul3A_587 = arith.mulf %div3A_584, %mul3A_586 : vector<16xf32>
        %min3A_588 = arith.constant 2.550000e+02 : f32
        %min3A_589 = vector.broadcast %min3A_588 : f32 to vector<16xf32>
        %min3A_590 = arith.minimumf %mul3A_587, %min3A_589 : vector<16xf32>
        %convert_element_type3A_591 = arith.fptosi %min3A_590 : vector<16xf32> to vector<16xi32>
        %mul3A_592 = arith.constant 2.550000e+02 : f32
        %mul3A_593 = vector.broadcast %mul3A_592 : f32 to vector<16xf32>
        %mul3A_594 = arith.mulf %scan3A_513, %mul3A_593 : vector<16xf32>
        %div3A_595 = arith.constant 2.550000e+02 : f32
        %div3A_596 = vector.broadcast %div3A_595 : f32 to vector<16xf32>
        %div3A_597 = arith.divf %mul3A_594, %div3A_596 : vector<16xf32>
        %mul3A_598 = arith.constant 2.560000e+02 : f32
        %mul3A_599 = vector.broadcast %mul3A_598 : f32 to vector<16xf32>
        %mul3A_600 = arith.mulf %div3A_597, %mul3A_599 : vector<16xf32>
        %min3A_601 = arith.constant 2.550000e+02 : f32
        %min3A_602 = vector.broadcast %min3A_601 : f32 to vector<16xf32>
        %min3A_603 = arith.minimumf %mul3A_600, %min3A_602 : vector<16xf32>
        %convert_element_type3A_604 = arith.fptosi %min3A_603 : vector<16xf32> to vector<16xi32>
        %mul3A_605 = arith.constant 2.550000e+02 : f32
        %mul3A_606 = vector.broadcast %mul3A_605 : f32 to vector<16xf32>
        %mul3A_607 = arith.mulf %scan3A_514, %mul3A_606 : vector<16xf32>
        %div3A_608 = arith.constant 2.550000e+02 : f32
        %div3A_609 = vector.broadcast %div3A_608 : f32 to vector<16xf32>
        %div3A_610 = arith.divf %mul3A_607, %div3A_609 : vector<16xf32>
        %mul3A_611 = arith.constant 2.560000e+02 : f32
        %mul3A_612 = vector.broadcast %mul3A_611 : f32 to vector<16xf32>
        %mul3A_613 = arith.mulf %div3A_610, %mul3A_612 : vector<16xf32>
        %min3A_614 = arith.constant 2.550000e+02 : f32
        %min3A_615 = vector.broadcast %min3A_614 : f32 to vector<16xf32>
        %min3A_616 = arith.minimumf %mul3A_613, %min3A_615 : vector<16xf32>
        %convert_element_type3A_617 = arith.fptosi %min3A_616 : vector<16xf32> to vector<16xi32>
        %mul3A_618 = arith.constant 2.550000e+02 : f32
        %mul3A_619 = vector.broadcast %mul3A_618 : f32 to vector<16xf32>
        %mul3A_620 = arith.mulf %scan3A_515, %mul3A_619 : vector<16xf32>
        %div3A_621 = arith.constant 2.550000e+02 : f32
        %div3A_622 = vector.broadcast %div3A_621 : f32 to vector<16xf32>
        %div3A_623 = arith.divf %mul3A_620, %div3A_622 : vector<16xf32>
        %mul3A_624 = arith.constant 2.560000e+02 : f32
        %mul3A_625 = vector.broadcast %mul3A_624 : f32 to vector<16xf32>
        %mul3A_626 = arith.mulf %div3A_623, %mul3A_625 : vector<16xf32>
        %min3A_627 = arith.constant 2.550000e+02 : f32
        %min3A_628 = vector.broadcast %min3A_627 : f32 to vector<16xf32>
        %min3A_629 = arith.minimumf %mul3A_626, %min3A_628 : vector<16xf32>
        %convert_element_type3A_630 = arith.fptosi %min3A_629 : vector<16xf32> to vector<16xi32>
        %mul3A_631 = arith.constant 2.550000e+02 : f32
        %mul3A_632 = vector.broadcast %mul3A_631 : f32 to vector<16xf32>
        %mul3A_633 = arith.mulf %scan3A_516, %mul3A_632 : vector<16xf32>
        %div3A_634 = arith.constant 2.550000e+02 : f32
        %div3A_635 = vector.broadcast %div3A_634 : f32 to vector<16xf32>
        %div3A_636 = arith.divf %mul3A_633, %div3A_635 : vector<16xf32>
        %mul3A_637 = arith.constant 2.560000e+02 : f32
        %mul3A_638 = vector.broadcast %mul3A_637 : f32 to vector<16xf32>
        %mul3A_639 = arith.mulf %div3A_636, %mul3A_638 : vector<16xf32>
        %min3A_640 = arith.constant 2.550000e+02 : f32
        %min3A_641 = vector.broadcast %min3A_640 : f32 to vector<16xf32>
        %min3A_642 = arith.minimumf %mul3A_639, %min3A_641 : vector<16xf32>
        %convert_element_type3A_643 = arith.fptosi %min3A_642 : vector<16xf32> to vector<16xi32>
        %mul3A_644 = arith.constant 2.550000e+02 : f32
        %mul3A_645 = vector.broadcast %mul3A_644 : f32 to vector<16xf32>
        %mul3A_646 = arith.mulf %scan3A_517, %mul3A_645 : vector<16xf32>
        %div3A_647 = arith.constant 2.550000e+02 : f32
        %div3A_648 = vector.broadcast %div3A_647 : f32 to vector<16xf32>
        %div3A_649 = arith.divf %mul3A_646, %div3A_648 : vector<16xf32>
        %mul3A_650 = arith.constant 2.560000e+02 : f32
        %mul3A_651 = vector.broadcast %mul3A_650 : f32 to vector<16xf32>
        %mul3A_652 = arith.mulf %div3A_649, %mul3A_651 : vector<16xf32>
        %min3A_653 = arith.constant 2.550000e+02 : f32
        %min3A_654 = vector.broadcast %min3A_653 : f32 to vector<16xf32>
        %min3A_655 = arith.minimumf %mul3A_652, %min3A_654 : vector<16xf32>
        %convert_element_type3A_656 = arith.fptosi %min3A_655 : vector<16xf32> to vector<16xi32>
        %mul3A_657 = arith.constant 2.550000e+02 : f32
        %mul3A_658 = vector.broadcast %mul3A_657 : f32 to vector<16xf32>
        %mul3A_659 = arith.mulf %scan3A_518, %mul3A_658 : vector<16xf32>
        %div3A_660 = arith.constant 2.550000e+02 : f32
        %div3A_661 = vector.broadcast %div3A_660 : f32 to vector<16xf32>
        %div3A_662 = arith.divf %mul3A_659, %div3A_661 : vector<16xf32>
        %mul3A_663 = arith.constant 2.560000e+02 : f32
        %mul3A_664 = vector.broadcast %mul3A_663 : f32 to vector<16xf32>
        %mul3A_665 = arith.mulf %div3A_662, %mul3A_664 : vector<16xf32>
        %min3A_666 = arith.constant 2.550000e+02 : f32
        %min3A_667 = vector.broadcast %min3A_666 : f32 to vector<16xf32>
        %min3A_668 = arith.minimumf %mul3A_665, %min3A_667 : vector<16xf32>
        %convert_element_type3A_669 = arith.fptosi %min3A_668 : vector<16xf32> to vector<16xi32>
        %add3A_670 = arith.constant 0 : i32
        %add3A_671 = arith.addi %select_n3A_118, %add3A_670 : i32
        %scatter3A_672 = tpu.memref_slice %arg7[%add3A_671] : memref<4096xf32, #tpu.memory_space<vmem>> -> memref<256xf32, #tpu.memory_space<vmem>>
        tpu.vector_store_idx %scatter3A_672[%convert_element_type3A_578], %broadcast_in_dim3A_36 {add = true} : memref<256xf32, #tpu.memory_space<vmem>>[vector<16xi32>], vector<16xf32>,
        %add3A_673 = arith.constant 512 : i32
        %add3A_674 = arith.addi %select_n3A_118, %add3A_673 : i32
        %scatter3A_675 = tpu.memref_slice %arg7[%add3A_674] : memref<4096xf32, #tpu.memory_space<vmem>> -> memref<256xf32, #tpu.memory_space<vmem>>
        tpu.vector_store_idx %scatter3A_675[%convert_element_type3A_591], %broadcast_in_dim3A_36 {add = true} : memref<256xf32, #tpu.memory_space<vmem>>[vector<16xi32>], vector<16xf32>,
        %add3A_676 = arith.constant 1024 : i32
        %add3A_677 = arith.addi %select_n3A_118, %add3A_676 : i32
        %scatter3A_678 = tpu.memref_slice %arg7[%add3A_677] : memref<4096xf32, #tpu.memory_space<vmem>> -> memref<256xf32, #tpu.memory_space<vmem>>
        tpu.vector_store_idx %scatter3A_678[%convert_element_type3A_604], %broadcast_in_dim3A_36 {add = true} : memref<256xf32, #tpu.memory_space<vmem>>[vector<16xi32>], vector<16xf32>,
        %add3A_679 = arith.constant 1536 : i32
        %add3A_680 = arith.addi %select_n3A_118, %add3A_679 : i32
        %scatter3A_681 = tpu.memref_slice %arg7[%add3A_680] : memref<4096xf32, #tpu.memory_space<vmem>> -> memref<256xf32, #tpu.memory_space<vmem>>
        tpu.vector_store_idx %scatter3A_681[%convert_element_type3A_617], %broadcast_in_dim3A_36 {add = true} : memref<256xf32, #tpu.memory_space<vmem>>[vector<16xi32>], vector<16xf32>,
        %add3A_682 = arith.constant 2048 : i32
        %add3A_683 = arith.addi %select_n3A_118, %add3A_682 : i32
        %scatter3A_684 = tpu.memref_slice %arg7[%add3A_683] : memref<4096xf32, #tpu.memory_space<vmem>> -> memref<256xf32, #tpu.memory_space<vmem>>
        tpu.vector_store_idx %scatter3A_684[%convert_element_type3A_630], %broadcast_in_dim3A_36 {add = true} : memref<256xf32, #tpu.memory_space<vmem>>[vector<16xi32>], vector<16xf32>,
        %add3A_685 = arith.constant 2560 : i32
        %add3A_686 = arith.addi %select_n3A_118, %add3A_685 : i32
        %scatter3A_687 = tpu.memref_slice %arg7[%add3A_686] : memref<4096xf32, #tpu.memory_space<vmem>> -> memref<256xf32, #tpu.memory_space<vmem>>
        tpu.vector_store_idx %scatter3A_687[%convert_element_type3A_643], %broadcast_in_dim3A_36 {add = true} : memref<256xf32, #tpu.memory_space<vmem>>[vector<16xi32>], vector<16xf32>,
        %add3A_688 = arith.constant 3072 : i32
        %add3A_689 = arith.addi %select_n3A_118, %add3A_688 : i32
        %scatter3A_690 = tpu.memref_slice %arg7[%add3A_689] : memref<4096xf32, #tpu.memory_space<vmem>> -> memref<256xf32, #tpu.memory_space<vmem>>
        tpu.vector_store_idx %scatter3A_690[%convert_element_type3A_656], %broadcast_in_dim3A_36 {add = true} : memref<256xf32, #tpu.memory_space<vmem>>[vector<16xi32>], vector<16xf32>,
        %add3A_691 = arith.constant 3584 : i32
        %add3A_692 = arith.addi %select_n3A_118, %add3A_691 : i32
        %scatter3A_693 = tpu.memref_slice %arg7[%add3A_692] : memref<4096xf32, #tpu.memory_space<vmem>> -> memref<256xf32, #tpu.memory_space<vmem>>
        tpu.vector_store_idx %scatter3A_693[%convert_element_type3A_669], %broadcast_in_dim3A_36 {add = true} : memref<256xf32, #tpu.memory_space<vmem>>[vector<16xi32>], vector<16xf32>,
        scf.yield %get3A_530, %get3A_535, %get3A_540, %get3A_545, %get3A_550, %get3A_555, %get3A_560, %get3A_565 : vector<16xf32>, vector<16xf32>, vector<16xf32>, vector<16xf32>, vector<16xf32>, vector<16xf32>, vector<16xf32>, vector<16xf32>
      }
      %scan3A_155 = arith.constant 255 : i32
      %mul3A_156 = arith.constant 2.550000e+02 : f32
      %mul3A_157 = vector.broadcast %mul3A_156 : f32 to vector<16xf32>
      %mul3A_158 = arith.mulf %scan3A_154#0, %mul3A_157 : vector<16xf32>
      %div3A_159 = arith.constant 2.550000e+02 : f32
      %div3A_160 = vector.broadcast %div3A_159 : f32 to vector<16xf32>
      %div3A_161 = arith.divf %mul3A_158, %div3A_160 : vector<16xf32>
      %mul3A_162 = arith.constant 2.560000e+02 : f32
      %mul3A_163 = vector.broadcast %mul3A_162 : f32 to vector<16xf32>
      %mul3A_164 = arith.mulf %div3A_161, %mul3A_163 : vector<16xf32>
      %min3A = arith.constant 2.550000e+02 : f32
      %min3A_165 = vector.broadcast %min3A : f32 to vector<16xf32>
      %min3A_166 = arith.minimumf %mul3A_164, %min3A_165 : vector<16xf32>
      %convert_element_type3A_167 = arith.fptosi %min3A_166 : vector<16xf32> to vector<16xi32>
      %mul3A_168 = arith.constant 2.550000e+02 : f32
      %mul3A_169 = vector.broadcast %mul3A_168 : f32 to vector<16xf32>
      %mul3A_170 = arith.mulf %scan3A_154#1, %mul3A_169 : vector<16xf32>
      %div3A_171 = arith.constant 2.550000e+02 : f32
      %div3A_172 = vector.broadcast %div3A_171 : f32 to vector<16xf32>
      %div3A_173 = arith.divf %mul3A_170, %div3A_172 : vector<16xf32>
      %mul3A_174 = arith.constant 2.560000e+02 : f32
      %mul3A_175 = vector.broadcast %mul3A_174 : f32 to vector<16xf32>
      %mul3A_176 = arith.mulf %div3A_173, %mul3A_175 : vector<16xf32>
      %min3A_177 = arith.constant 2.550000e+02 : f32
      %min3A_178 = vector.broadcast %min3A_177 : f32 to vector<16xf32>
      %min3A_179 = arith.minimumf %mul3A_176, %min3A_178 : vector<16xf32>
      %convert_element_type3A_180 = arith.fptosi %min3A_179 : vector<16xf32> to vector<16xi32>
      %mul3A_181 = arith.constant 2.550000e+02 : f32
      %mul3A_182 = vector.broadcast %mul3A_181 : f32 to vector<16xf32>
      %mul3A_183 = arith.mulf %scan3A_154#2, %mul3A_182 : vector<16xf32>
      %div3A_184 = arith.constant 2.550000e+02 : f32
      %div3A_185 = vector.broadcast %div3A_184 : f32 to vector<16xf32>
      %div3A_186 = arith.divf %mul3A_183, %div3A_185 : vector<16xf32>
      %mul3A_187 = arith.constant 2.560000e+02 : f32
      %mul3A_188 = vector.broadcast %mul3A_187 : f32 to vector<16xf32>
      %mul3A_189 = arith.mulf %div3A_186, %mul3A_188 : vector<16xf32>
      %min3A_190 = arith.constant 2.550000e+02 : f32
      %min3A_191 = vector.broadcast %min3A_190 : f32 to vector<16xf32>
      %min3A_192 = arith.minimumf %mul3A_189, %min3A_191 : vector<16xf32>
      %convert_element_type3A_193 = arith.fptosi %min3A_192 : vector<16xf32> to vector<16xi32>
      %mul3A_194 = arith.constant 2.550000e+02 : f32
      %mul3A_195 = vector.broadcast %mul3A_194 : f32 to vector<16xf32>
      %mul3A_196 = arith.mulf %scan3A_154#3, %mul3A_195 : vector<16xf32>
      %div3A_197 = arith.constant 2.550000e+02 : f32
      %div3A_198 = vector.broadcast %div3A_197 : f32 to vector<16xf32>
      %div3A_199 = arith.divf %mul3A_196, %div3A_198 : vector<16xf32>
      %mul3A_200 = arith.constant 2.560000e+02 : f32
      %mul3A_201 = vector.broadcast %mul3A_200 : f32 to vector<16xf32>
      %mul3A_202 = arith.mulf %div3A_199, %mul3A_201 : vector<16xf32>
      %min3A_203 = arith.constant 2.550000e+02 : f32
      %min3A_204 = vector.broadcast %min3A_203 : f32 to vector<16xf32>
      %min3A_205 = arith.minimumf %mul3A_202, %min3A_204 : vector<16xf32>
      %convert_element_type3A_206 = arith.fptosi %min3A_205 : vector<16xf32> to vector<16xi32>
      %mul3A_207 = arith.constant 2.550000e+02 : f32
      %mul3A_208 = vector.broadcast %mul3A_207 : f32 to vector<16xf32>
      %mul3A_209 = arith.mulf %scan3A_154#4, %mul3A_208 : vector<16xf32>
      %div3A_210 = arith.constant 2.550000e+02 : f32
      %div3A_211 = vector.broadcast %div3A_210 : f32 to vector<16xf32>
      %div3A_212 = arith.divf %mul3A_209, %div3A_211 : vector<16xf32>
      %mul3A_213 = arith.constant 2.560000e+02 : f32
      %mul3A_214 = vector.broadcast %mul3A_213 : f32 to vector<16xf32>
      %mul3A_215 = arith.mulf %div3A_212, %mul3A_214 : vector<16xf32>
      %min3A_216 = arith.constant 2.550000e+02 : f32
      %min3A_217 = vector.broadcast %min3A_216 : f32 to vector<16xf32>
      %min3A_218 = arith.minimumf %mul3A_215, %min3A_217 : vector<16xf32>
      %convert_element_type3A_219 = arith.fptosi %min3A_218 : vector<16xf32> to vector<16xi32>
      %mul3A_220 = arith.constant 2.550000e+02 : f32
      %mul3A_221 = vector.broadcast %mul3A_220 : f32 to vector<16xf32>
      %mul3A_222 = arith.mulf %scan3A_154#5, %mul3A_221 : vector<16xf32>
      %div3A_223 = arith.constant 2.550000e+02 : f32
      %div3A_224 = vector.broadcast %div3A_223 : f32 to vector<16xf32>
      %div3A_225 = arith.divf %mul3A_222, %div3A_224 : vector<16xf32>
      %mul3A_226 = arith.constant 2.560000e+02 : f32
      %mul3A_227 = vector.broadcast %mul3A_226 : f32 to vector<16xf32>
      %mul3A_228 = arith.mulf %div3A_225, %mul3A_227 : vector<16xf32>
      %min3A_229 = arith.constant 2.550000e+02 : f32
      %min3A_230 = vector.broadcast %min3A_229 : f32 to vector<16xf32>
      %min3A_231 = arith.minimumf %mul3A_228, %min3A_230 : vector<16xf32>
      %convert_element_type3A_232 = arith.fptosi %min3A_231 : vector<16xf32> to vector<16xi32>
      %mul3A_233 = arith.constant 2.550000e+02 : f32
      %mul3A_234 = vector.broadcast %mul3A_233 : f32 to vector<16xf32>
      %mul3A_235 = arith.mulf %scan3A_154#6, %mul3A_234 : vector<16xf32>
      %div3A_236 = arith.constant 2.550000e+02 : f32
      %div3A_237 = vector.broadcast %div3A_236 : f32 to vector<16xf32>
      %div3A_238 = arith.divf %mul3A_235, %div3A_237 : vector<16xf32>
      %mul3A_239 = arith.constant 2.560000e+02 : f32
      %mul3A_240 = vector.broadcast %mul3A_239 : f32 to vector<16xf32>
      %mul3A_241 = arith.mulf %div3A_238, %mul3A_240 : vector<16xf32>
      %min3A_242 = arith.constant 2.550000e+02 : f32
      %min3A_243 = vector.broadcast %min3A_242 : f32 to vector<16xf32>
      %min3A_244 = arith.minimumf %mul3A_241, %min3A_243 : vector<16xf32>
      %convert_element_type3A_245 = arith.fptosi %min3A_244 : vector<16xf32> to vector<16xi32>
      %mul3A_246 = arith.constant 2.550000e+02 : f32
      %mul3A_247 = vector.broadcast %mul3A_246 : f32 to vector<16xf32>
      %mul3A_248 = arith.mulf %scan3A_154#7, %mul3A_247 : vector<16xf32>
      %div3A_249 = arith.constant 2.550000e+02 : f32
      %div3A_250 = vector.broadcast %div3A_249 : f32 to vector<16xf32>
      %div3A_251 = arith.divf %mul3A_248, %div3A_250 : vector<16xf32>
      %mul3A_252 = arith.constant 2.560000e+02 : f32
      %mul3A_253 = vector.broadcast %mul3A_252 : f32 to vector<16xf32>
      %mul3A_254 = arith.mulf %div3A_251, %mul3A_253 : vector<16xf32>
      %min3A_255 = arith.constant 2.550000e+02 : f32
      %min3A_256 = vector.broadcast %min3A_255 : f32 to vector<16xf32>
      %min3A_257 = arith.minimumf %mul3A_254, %min3A_256 : vector<16xf32>
      %convert_element_type3A_258 = arith.fptosi %min3A_257 : vector<16xf32> to vector<16xi32>
      %add3A_259 = arith.constant 0 : i32
      %add3A_260 = arith.addi %select_n3A_118, %add3A_259 : i32
      %scatter3A = tpu.memref_slice %arg7[%add3A_260] : memref<4096xf32, #tpu.memory_space<vmem>> -> memref<256xf32, #tpu.memory_space<vmem>>
      tpu.vector_store_idx %scatter3A[%convert_element_type3A_167], %broadcast_in_dim3A_36 {add = true} : memref<256xf32, #tpu.memory_space<vmem>>[vector<16xi32>], vector<16xf32>,
      %add3A_261 = arith.constant 512 : i32
      %add3A_262 = arith.addi %select_n3A_118, %add3A_261 : i32
      %scatter3A_263 = tpu.memref_slice %arg7[%add3A_262] : memref<4096xf32, #tpu.memory_space<vmem>> -> memref<256xf32, #tpu.memory_space<vmem>>
      tpu.vector_store_idx %scatter3A_263[%convert_element_type3A_180], %broadcast_in_dim3A_36 {add = true} : memref<256xf32, #tpu.memory_space<vmem>>[vector<16xi32>], vector<16xf32>,
      %add3A_264 = arith.constant 1024 : i32
      %add3A_265 = arith.addi %select_n3A_118, %add3A_264 : i32
      %scatter3A_266 = tpu.memref_slice %arg7[%add3A_265] : memref<4096xf32, #tpu.memory_space<vmem>> -> memref<256xf32, #tpu.memory_space<vmem>>
      tpu.vector_store_idx %scatter3A_266[%convert_element_type3A_193], %broadcast_in_dim3A_36 {add = true} : memref<256xf32, #tpu.memory_space<vmem>>[vector<16xi32>], vector<16xf32>,
      %add3A_267 = arith.constant 1536 : i32
      %add3A_268 = arith.addi %select_n3A_118, %add3A_267 : i32
      %scatter3A_269 = tpu.memref_slice %arg7[%add3A_268] : memref<4096xf32, #tpu.memory_space<vmem>> -> memref<256xf32, #tpu.memory_space<vmem>>
      tpu.vector_store_idx %scatter3A_269[%convert_element_type3A_206], %broadcast_in_dim3A_36 {add = true} : memref<256xf32, #tpu.memory_space<vmem>>[vector<16xi32>], vector<16xf32>,
      %add3A_270 = arith.constant 2048 : i32
      %add3A_271 = arith.addi %select_n3A_118, %add3A_270 : i32
      %scatter3A_272 = tpu.memref_slice %arg7[%add3A_271] : memref<4096xf32, #tpu.memory_space<vmem>> -> memref<256xf32, #tpu.memory_space<vmem>>
      tpu.vector_store_idx %scatter3A_272[%convert_element_type3A_219], %broadcast_in_dim3A_36 {add = true} : memref<256xf32, #tpu.memory_space<vmem>>[vector<16xi32>], vector<16xf32>,
      %add3A_273 = arith.constant 2560 : i32
      %add3A_274 = arith.addi %select_n3A_118, %add3A_273 : i32
      %scatter3A_275 = tpu.memref_slice %arg7[%add3A_274] : memref<4096xf32, #tpu.memory_space<vmem>> -> memref<256xf32, #tpu.memory_space<vmem>>
      tpu.vector_store_idx %scatter3A_275[%convert_element_type3A_232], %broadcast_in_dim3A_36 {add = true} : memref<256xf32, #tpu.memory_space<vmem>>[vector<16xi32>], vector<16xf32>,
      %add3A_276 = arith.constant 3072 : i32
      %add3A_277 = arith.addi %select_n3A_118, %add3A_276 : i32
      %scatter3A_278 = tpu.memref_slice %arg7[%add3A_277] : memref<4096xf32, #tpu.memory_space<vmem>> -> memref<256xf32, #tpu.memory_space<vmem>>
      tpu.vector_store_idx %scatter3A_278[%convert_element_type3A_245], %broadcast_in_dim3A_36 {add = true} : memref<256xf32, #tpu.memory_space<vmem>>[vector<16xi32>], vector<16xf32>,
      %add3A_279 = arith.constant 3584 : i32
      %add3A_280 = arith.addi %select_n3A_118, %add3A_279 : i32
      %scatter3A_281 = tpu.memref_slice %arg7[%add3A_280] : memref<4096xf32, #tpu.memory_space<vmem>> -> memref<256xf32, #tpu.memory_space<vmem>>
      tpu.vector_store_idx %scatter3A_281[%convert_element_type3A_258], %broadcast_in_dim3A_36 {add = true} : memref<256xf32, #tpu.memory_space<vmem>>[vector<16xi32>], vector<16xf32>,
      %add3A_282 = arith.constant 2 : i32
      %add3A_283 = arith.addi %add3A_108, %add3A_282 : i32
      %ge3A_284 = arith.constant 12 : i32
      %ge3A_285 = arith.cmpi sge, %add3A_283, %ge3A_284 : i32
      %convert_element_type3A_286 = arith.extui %ge3A_285 : i1 to i32
      %mul3A_287 = arith.constant 12 : i32
      %mul3A_288 = arith.muli %mul3A_287, %convert_element_type3A_286 : i32
      %sub3A_289 = arith.subi %add3A_283, %mul3A_288 : i32
      %mul3A_290 = arith.constant 64 : i32
      %mul3A_291 = arith.muli %sub3A_289, %mul3A_290 : i32
      %add3A_292 = arith.addi %mul3A_2, %mul3A_291 : i32
      %lt3A_293 = arith.constant 12 : i32
      %lt3A_294 = arith.cmpi slt, %add3A_283, %lt3A_293 : i32
      %convert_element_type3A_295 = arith.extui %lt3A_294 : i1 to i32
      %cond3A_296 = arith.constant 0 : i32
      %cond3A_297 = arith.cmpi ne, %convert_element_type3A_295, %cond3A_296 : i32
      scf.if %cond3A_297 {
        %dma_start3A = arith.constant 0 : i32
        %dma_start3A_510 = tpu.memref_slice %arg2[%add3A_292, %dma_start3A] : memref<24576x512xf32, #tpu.memory_space<hbm>> -> memref<64x512xf32, #tpu.memory_space<hbm>>
        %dma_start3A_511 = arith.constant 0 : i32
        %dma_start3A_512 = tpu.memref_slice %arg2[%add3A_292, %dma_start3A_511] : memref<24576x512xf32, #tpu.memory_space<hbm>> -> memref<64x512xf32, #tpu.memory_space<hbm>>
        tpu.enqueue_dma source(%dma_start3A_512 : memref<64x512xf32, #tpu.memory_space<hbm>>) target(%arg5 : memref<64x512xf32, #tpu.memory_space<vmem>>) target_semaphore(%arg8 : memref<!tpu.dma_semaphore, #tpu.memory_space<semaphore_mem>>)
      } else {
      }
      %ge3A_298 = arith.constant 12 : i32
      %ge3A_299 = arith.cmpi sge, %add3A_283, %ge3A_298 : i32
      %lt3A_300 = arith.constant 24 : i32
      %lt3A_301 = arith.cmpi slt, %add3A_283, %lt3A_300 : i32
      %and3A_302 = arith.andi %ge3A_299, %lt3A_301 : i1
      %convert_element_type3A_303 = arith.extui %and3A_302 : i1 to i32
      %cond3A_304 = arith.constant 0 : i32
      %cond3A_305 = arith.cmpi ne, %convert_element_type3A_303, %cond3A_304 : i32
      scf.if %cond3A_305 {
        %dma_start3A = arith.constant 0 : i32
        %dma_start3A_510 = tpu.memref_slice %arg3[%add3A_292, %dma_start3A] : memref<24576x512xf32, #tpu.memory_space<hbm>> -> memref<64x512xf32, #tpu.memory_space<hbm>>
        %dma_start3A_511 = arith.constant 0 : i32
        %dma_start3A_512 = tpu.memref_slice %arg3[%add3A_292, %dma_start3A_511] : memref<24576x512xf32, #tpu.memory_space<hbm>> -> memref<64x512xf32, #tpu.memory_space<hbm>>
        tpu.enqueue_dma source(%dma_start3A_512 : memref<64x512xf32, #tpu.memory_space<hbm>>) target(%arg5 : memref<64x512xf32, #tpu.memory_space<vmem>>) target_semaphore(%arg8 : memref<!tpu.dma_semaphore, #tpu.memory_space<semaphore_mem>>)
      } else {
      }
      %add3A_306 = arith.constant 1 : i32
      %add3A_307 = arith.addi %mul3A_106, %add3A_306 : i32
      %dma_wait3A_308 = arith.constant 0 : i32
      %dma_wait3A_309 = arith.constant 0 : i32
      %dma_wait3A_310 = tpu.memref_slice %arg2[%dma_wait3A_308, %dma_wait3A_309] : memref<24576x512xf32, #tpu.memory_space<hbm>> -> memref<64x512xf32, #tpu.memory_space<hbm>>
      %dma_wait3A_311 = arith.constant 0 : i32
      %dma_wait3A_312 = arith.constant 0 : i32
      %dma_wait3A_313 = tpu.memref_slice %arg2[%dma_wait3A_311, %dma_wait3A_312] : memref<24576x512xf32, #tpu.memory_space<hbm>> -> memref<64x512xf32, #tpu.memory_space<hbm>>
      tpu.wait_dma2 semaphore(%arg9 : memref<!tpu.dma_semaphore, #tpu.memory_space<semaphore_mem>>) src(%dma_wait3A_313 : memref<64x512xf32, #tpu.memory_space<hbm>>) dst(%arg6 : memref<64x512xf32, #tpu.memory_space<vmem>>)
      %lt3A_314 = arith.constant 12 : i32
      %lt3A_315 = arith.cmpi slt, %add3A_307, %lt3A_314 : i32
      %jit3A_316 = arith.constant 0 : i32
      %jit3A_317 = arith.constant 256 : i32
      %select_n3A_318 = arith.select %lt3A_315, %jit3A_316, %jit3A_317 : i32
      %get3A_319 = arith.constant 0 : i32
      %get3A_320 = arith.index_cast %get3A_319 : i32 to index
      %get3A_321 = arith.constant 0 : index
      %get3A_322 = tpu.vector_load %arg6[%get3A_320, %get3A_321] {strides = array<i32>} : memref<64x512xf32, #tpu.memory_space<vmem>>, vector<16xf32>,
      %get3A_323 = arith.constant 0 : i32
      %get3A_324 = arith.index_cast %get3A_323 : i32 to index
      %get3A_325 = arith.constant 16 : index
      %get3A_326 = tpu.vector_load %arg6[%get3A_324, %get3A_325] {strides = array<i32>} : memref<64x512xf32, #tpu.memory_space<vmem>>, vector<16xf32>,
      %get3A_327 = arith.constant 0 : i32
      %get3A_328 = arith.index_cast %get3A_327 : i32 to index
      %get3A_329 = arith.constant 32 : index
      %get3A_330 = tpu.vector_load %arg6[%get3A_328, %get3A_329] {strides = array<i32>} : memref<64x512xf32, #tpu.memory_space<vmem>>, vector<16xf32>,
      %get3A_331 = arith.constant 0 : i32
      %get3A_332 = arith.index_cast %get3A_331 : i32 to index
      %get3A_333 = arith.constant 48 : index
      %get3A_334 = tpu.vector_load %arg6[%get3A_332, %get3A_333] {strides = array<i32>} : memref<64x512xf32, #tpu.memory_space<vmem>>, vector<16xf32>,
      %get3A_335 = arith.constant 0 : i32
      %get3A_336 = arith.index_cast %get3A_335 : i32 to index
      %get3A_337 = arith.constant 64 : index
      %get3A_338 = tpu.vector_load %arg6[%get3A_336, %get3A_337] {strides = array<i32>} : memref<64x512xf32, #tpu.memory_space<vmem>>, vector<16xf32>,
      %get3A_339 = arith.constant 0 : i32
      %get3A_340 = arith.index_cast %get3A_339 : i32 to index
      %get3A_341 = arith.constant 80 : index
      %get3A_342 = tpu.vector_load %arg6[%get3A_340, %get3A_341] {strides = array<i32>} : memref<64x512xf32, #tpu.memory_space<vmem>>, vector<16xf32>,
      %get3A_343 = arith.constant 0 : i32
      %get3A_344 = arith.index_cast %get3A_343 : i32 to index
      %get3A_345 = arith.constant 96 : index
      %get3A_346 = tpu.vector_load %arg6[%get3A_344, %get3A_345] {strides = array<i32>} : memref<64x512xf32, #tpu.memory_space<vmem>>, vector<16xf32>,
      %get3A_347 = arith.constant 0 : i32
      %get3A_348 = arith.index_cast %get3A_347 : i32 to index
      %get3A_349 = arith.constant 112 : index
      %get3A_350 = tpu.vector_load %arg6[%get3A_348, %get3A_349] {strides = array<i32>} : memref<64x512xf32, #tpu.memory_space<vmem>>, vector<16xf32>,
      %scan3A_351 = arith.constant 0 : i32
      %scan3A_352 = arith.constant 255 : i32
      %scan3A_353 = arith.addi %scan3A_351, %scan3A_352 : i32
      %scan3A_354 = arith.constant 1 : i32
      %scan3A_355:8 = scf.for %scan3A_510 = %scan3A_351 to %scan3A_353 step %scan3A_354 iter_args(%scan3A_511 = %get3A_322, %scan3A_512 = %get3A_326, %scan3A_513 = %get3A_330, %scan3A_514 = %get3A_334, %scan3A_515 = %get3A_338, %scan3A_516 = %get3A_342, %scan3A_517 = %get3A_346, %scan3A_518 = %get3A_350) -> (vector<16xf32>, vector<16xf32>, vector<16xf32>, vector<16xf32>, vector<16xf32>, vector<16xf32>, vector<16xf32>, vector<16xf32>)  : i32 {
        %add3A_519 = arith.constant 1 : i32
        %add3A_520 = arith.addi %scan3A_510, %add3A_519 : i32
        %shift_right_arithmetic3A = arith.constant 2 : i32
        %shift_right_arithmetic3A_521 = arith.shrsi %add3A_520, %shift_right_arithmetic3A : i32
        %and3A_522 = arith.constant 3 : i32
        %and3A_523 = arith.andi %add3A_520, %and3A_522 : i32
        %mul3A_524 = arith.constant 128 : i32
        %mul3A_525 = arith.muli %and3A_523, %mul3A_524 : i32
        %add3A_526 = arith.constant 0 : i32
        %add3A_527 = arith.addi %mul3A_525, %add3A_526 : i32
        %get3A_528 = arith.index_cast %shift_right_arithmetic3A_521 : i32 to index
        %get3A_529 = arith.index_cast %add3A_527 : i32 to index
        %get3A_530 = tpu.vector_load %arg6[%get3A_528, %get3A_529] {strides = array<i32>} : memref<64x512xf32, #tpu.memory_space<vmem>>, vector<16xf32>,
        %add3A_531 = arith.constant 16 : i32
        %add3A_532 = arith.addi %mul3A_525, %add3A_531 : i32
        %get3A_533 = arith.index_cast %shift_right_arithmetic3A_521 : i32 to index
        %get3A_534 = arith.index_cast %add3A_532 : i32 to index
        %get3A_535 = tpu.vector_load %arg6[%get3A_533, %get3A_534] {strides = array<i32>} : memref<64x512xf32, #tpu.memory_space<vmem>>, vector<16xf32>,
        %add3A_536 = arith.constant 32 : i32
        %add3A_537 = arith.addi %mul3A_525, %add3A_536 : i32
        %get3A_538 = arith.index_cast %shift_right_arithmetic3A_521 : i32 to index
        %get3A_539 = arith.index_cast %add3A_537 : i32 to index
        %get3A_540 = tpu.vector_load %arg6[%get3A_538, %get3A_539] {strides = array<i32>} : memref<64x512xf32, #tpu.memory_space<vmem>>, vector<16xf32>,
        %add3A_541 = arith.constant 48 : i32
        %add3A_542 = arith.addi %mul3A_525, %add3A_541 : i32
        %get3A_543 = arith.index_cast %shift_right_arithmetic3A_521 : i32 to index
        %get3A_544 = arith.index_cast %add3A_542 : i32 to index
        %get3A_545 = tpu.vector_load %arg6[%get3A_543, %get3A_544] {strides = array<i32>} : memref<64x512xf32, #tpu.memory_space<vmem>>, vector<16xf32>,
        %add3A_546 = arith.constant 64 : i32
        %add3A_547 = arith.addi %mul3A_525, %add3A_546 : i32
        %get3A_548 = arith.index_cast %shift_right_arithmetic3A_521 : i32 to index
        %get3A_549 = arith.index_cast %add3A_547 : i32 to index
        %get3A_550 = tpu.vector_load %arg6[%get3A_548, %get3A_549] {strides = array<i32>} : memref<64x512xf32, #tpu.memory_space<vmem>>, vector<16xf32>,
        %add3A_551 = arith.constant 80 : i32
        %add3A_552 = arith.addi %mul3A_525, %add3A_551 : i32
        %get3A_553 = arith.index_cast %shift_right_arithmetic3A_521 : i32 to index
        %get3A_554 = arith.index_cast %add3A_552 : i32 to index
        %get3A_555 = tpu.vector_load %arg6[%get3A_553, %get3A_554] {strides = array<i32>} : memref<64x512xf32, #tpu.memory_space<vmem>>, vector<16xf32>,
        %add3A_556 = arith.constant 96 : i32
        %add3A_557 = arith.addi %mul3A_525, %add3A_556 : i32
        %get3A_558 = arith.index_cast %shift_right_arithmetic3A_521 : i32 to index
        %get3A_559 = arith.index_cast %add3A_557 : i32 to index
        %get3A_560 = tpu.vector_load %arg6[%get3A_558, %get3A_559] {strides = array<i32>} : memref<64x512xf32, #tpu.memory_space<vmem>>, vector<16xf32>,
        %add3A_561 = arith.constant 112 : i32
        %add3A_562 = arith.addi %mul3A_525, %add3A_561 : i32
        %get3A_563 = arith.index_cast %shift_right_arithmetic3A_521 : i32 to index
        %get3A_564 = arith.index_cast %add3A_562 : i32 to index
        %get3A_565 = tpu.vector_load %arg6[%get3A_563, %get3A_564] {strides = array<i32>} : memref<64x512xf32, #tpu.memory_space<vmem>>, vector<16xf32>,
        %mul3A_566 = arith.constant 2.550000e+02 : f32
        %mul3A_567 = vector.broadcast %mul3A_566 : f32 to vector<16xf32>
        %mul3A_568 = arith.mulf %scan3A_511, %mul3A_567 : vector<16xf32>
        %div3A_569 = arith.constant 2.550000e+02 : f32
        %div3A_570 = vector.broadcast %div3A_569 : f32 to vector<16xf32>
        %div3A_571 = arith.divf %mul3A_568, %div3A_570 : vector<16xf32>
        %mul3A_572 = arith.constant 2.560000e+02 : f32
        %mul3A_573 = vector.broadcast %mul3A_572 : f32 to vector<16xf32>
        %mul3A_574 = arith.mulf %div3A_571, %mul3A_573 : vector<16xf32>
        %min3A_575 = arith.constant 2.550000e+02 : f32
        %min3A_576 = vector.broadcast %min3A_575 : f32 to vector<16xf32>
        %min3A_577 = arith.minimumf %mul3A_574, %min3A_576 : vector<16xf32>
        %convert_element_type3A_578 = arith.fptosi %min3A_577 : vector<16xf32> to vector<16xi32>
        %mul3A_579 = arith.constant 2.550000e+02 : f32
        %mul3A_580 = vector.broadcast %mul3A_579 : f32 to vector<16xf32>
        %mul3A_581 = arith.mulf %scan3A_512, %mul3A_580 : vector<16xf32>
        %div3A_582 = arith.constant 2.550000e+02 : f32
        %div3A_583 = vector.broadcast %div3A_582 : f32 to vector<16xf32>
        %div3A_584 = arith.divf %mul3A_581, %div3A_583 : vector<16xf32>
        %mul3A_585 = arith.constant 2.560000e+02 : f32
        %mul3A_586 = vector.broadcast %mul3A_585 : f32 to vector<16xf32>
        %mul3A_587 = arith.mulf %div3A_584, %mul3A_586 : vector<16xf32>
        %min3A_588 = arith.constant 2.550000e+02 : f32
        %min3A_589 = vector.broadcast %min3A_588 : f32 to vector<16xf32>
        %min3A_590 = arith.minimumf %mul3A_587, %min3A_589 : vector<16xf32>
        %convert_element_type3A_591 = arith.fptosi %min3A_590 : vector<16xf32> to vector<16xi32>
        %mul3A_592 = arith.constant 2.550000e+02 : f32
        %mul3A_593 = vector.broadcast %mul3A_592 : f32 to vector<16xf32>
        %mul3A_594 = arith.mulf %scan3A_513, %mul3A_593 : vector<16xf32>
        %div3A_595 = arith.constant 2.550000e+02 : f32
        %div3A_596 = vector.broadcast %div3A_595 : f32 to vector<16xf32>
        %div3A_597 = arith.divf %mul3A_594, %div3A_596 : vector<16xf32>
        %mul3A_598 = arith.constant 2.560000e+02 : f32
        %mul3A_599 = vector.broadcast %mul3A_598 : f32 to vector<16xf32>
        %mul3A_600 = arith.mulf %div3A_597, %mul3A_599 : vector<16xf32>
        %min3A_601 = arith.constant 2.550000e+02 : f32
        %min3A_602 = vector.broadcast %min3A_601 : f32 to vector<16xf32>
        %min3A_603 = arith.minimumf %mul3A_600, %min3A_602 : vector<16xf32>
        %convert_element_type3A_604 = arith.fptosi %min3A_603 : vector<16xf32> to vector<16xi32>
        %mul3A_605 = arith.constant 2.550000e+02 : f32
        %mul3A_606 = vector.broadcast %mul3A_605 : f32 to vector<16xf32>
        %mul3A_607 = arith.mulf %scan3A_514, %mul3A_606 : vector<16xf32>
        %div3A_608 = arith.constant 2.550000e+02 : f32
        %div3A_609 = vector.broadcast %div3A_608 : f32 to vector<16xf32>
        %div3A_610 = arith.divf %mul3A_607, %div3A_609 : vector<16xf32>
        %mul3A_611 = arith.constant 2.560000e+02 : f32
        %mul3A_612 = vector.broadcast %mul3A_611 : f32 to vector<16xf32>
        %mul3A_613 = arith.mulf %div3A_610, %mul3A_612 : vector<16xf32>
        %min3A_614 = arith.constant 2.550000e+02 : f32
        %min3A_615 = vector.broadcast %min3A_614 : f32 to vector<16xf32>
        %min3A_616 = arith.minimumf %mul3A_613, %min3A_615 : vector<16xf32>
        %convert_element_type3A_617 = arith.fptosi %min3A_616 : vector<16xf32> to vector<16xi32>
        %mul3A_618 = arith.constant 2.550000e+02 : f32
        %mul3A_619 = vector.broadcast %mul3A_618 : f32 to vector<16xf32>
        %mul3A_620 = arith.mulf %scan3A_515, %mul3A_619 : vector<16xf32>
        %div3A_621 = arith.constant 2.550000e+02 : f32
        %div3A_622 = vector.broadcast %div3A_621 : f32 to vector<16xf32>
        %div3A_623 = arith.divf %mul3A_620, %div3A_622 : vector<16xf32>
        %mul3A_624 = arith.constant 2.560000e+02 : f32
        %mul3A_625 = vector.broadcast %mul3A_624 : f32 to vector<16xf32>
        %mul3A_626 = arith.mulf %div3A_623, %mul3A_625 : vector<16xf32>
        %min3A_627 = arith.constant 2.550000e+02 : f32
        %min3A_628 = vector.broadcast %min3A_627 : f32 to vector<16xf32>
        %min3A_629 = arith.minimumf %mul3A_626, %min3A_628 : vector<16xf32>
        %convert_element_type3A_630 = arith.fptosi %min3A_629 : vector<16xf32> to vector<16xi32>
        %mul3A_631 = arith.constant 2.550000e+02 : f32
        %mul3A_632 = vector.broadcast %mul3A_631 : f32 to vector<16xf32>
        %mul3A_633 = arith.mulf %scan3A_516, %mul3A_632 : vector<16xf32>
        %div3A_634 = arith.constant 2.550000e+02 : f32
        %div3A_635 = vector.broadcast %div3A_634 : f32 to vector<16xf32>
        %div3A_636 = arith.divf %mul3A_633, %div3A_635 : vector<16xf32>
        %mul3A_637 = arith.constant 2.560000e+02 : f32
        %mul3A_638 = vector.broadcast %mul3A_637 : f32 to vector<16xf32>
        %mul3A_639 = arith.mulf %div3A_636, %mul3A_638 : vector<16xf32>
        %min3A_640 = arith.constant 2.550000e+02 : f32
        %min3A_641 = vector.broadcast %min3A_640 : f32 to vector<16xf32>
        %min3A_642 = arith.minimumf %mul3A_639, %min3A_641 : vector<16xf32>
        %convert_element_type3A_643 = arith.fptosi %min3A_642 : vector<16xf32> to vector<16xi32>
        %mul3A_644 = arith.constant 2.550000e+02 : f32
        %mul3A_645 = vector.broadcast %mul3A_644 : f32 to vector<16xf32>
        %mul3A_646 = arith.mulf %scan3A_517, %mul3A_645 : vector<16xf32>
        %div3A_647 = arith.constant 2.550000e+02 : f32
        %div3A_648 = vector.broadcast %div3A_647 : f32 to vector<16xf32>
        %div3A_649 = arith.divf %mul3A_646, %div3A_648 : vector<16xf32>
        %mul3A_650 = arith.constant 2.560000e+02 : f32
        %mul3A_651 = vector.broadcast %mul3A_650 : f32 to vector<16xf32>
        %mul3A_652 = arith.mulf %div3A_649, %mul3A_651 : vector<16xf32>
        %min3A_653 = arith.constant 2.550000e+02 : f32
        %min3A_654 = vector.broadcast %min3A_653 : f32 to vector<16xf32>
        %min3A_655 = arith.minimumf %mul3A_652, %min3A_654 : vector<16xf32>
        %convert_element_type3A_656 = arith.fptosi %min3A_655 : vector<16xf32> to vector<16xi32>
        %mul3A_657 = arith.constant 2.550000e+02 : f32
        %mul3A_658 = vector.broadcast %mul3A_657 : f32 to vector<16xf32>
        %mul3A_659 = arith.mulf %scan3A_518, %mul3A_658 : vector<16xf32>
        %div3A_660 = arith.constant 2.550000e+02 : f32
        %div3A_661 = vector.broadcast %div3A_660 : f32 to vector<16xf32>
        %div3A_662 = arith.divf %mul3A_659, %div3A_661 : vector<16xf32>
        %mul3A_663 = arith.constant 2.560000e+02 : f32
        %mul3A_664 = vector.broadcast %mul3A_663 : f32 to vector<16xf32>
        %mul3A_665 = arith.mulf %div3A_662, %mul3A_664 : vector<16xf32>
        %min3A_666 = arith.constant 2.550000e+02 : f32
        %min3A_667 = vector.broadcast %min3A_666 : f32 to vector<16xf32>
        %min3A_668 = arith.minimumf %mul3A_665, %min3A_667 : vector<16xf32>
        %convert_element_type3A_669 = arith.fptosi %min3A_668 : vector<16xf32> to vector<16xi32>
        %add3A_670 = arith.constant 0 : i32
        %add3A_671 = arith.addi %select_n3A_318, %add3A_670 : i32
        %scatter3A_672 = tpu.memref_slice %arg7[%add3A_671] : memref<4096xf32, #tpu.memory_space<vmem>> -> memref<256xf32, #tpu.memory_space<vmem>>
        tpu.vector_store_idx %scatter3A_672[%convert_element_type3A_578], %broadcast_in_dim3A_36 {add = true} : memref<256xf32, #tpu.memory_space<vmem>>[vector<16xi32>], vector<16xf32>,
        %add3A_673 = arith.constant 512 : i32
        %add3A_674 = arith.addi %select_n3A_318, %add3A_673 : i32
        %scatter3A_675 = tpu.memref_slice %arg7[%add3A_674] : memref<4096xf32, #tpu.memory_space<vmem>> -> memref<256xf32, #tpu.memory_space<vmem>>
        tpu.vector_store_idx %scatter3A_675[%convert_element_type3A_591], %broadcast_in_dim3A_36 {add = true} : memref<256xf32, #tpu.memory_space<vmem>>[vector<16xi32>], vector<16xf32>,
        %add3A_676 = arith.constant 1024 : i32
        %add3A_677 = arith.addi %select_n3A_318, %add3A_676 : i32
        %scatter3A_678 = tpu.memref_slice %arg7[%add3A_677] : memref<4096xf32, #tpu.memory_space<vmem>> -> memref<256xf32, #tpu.memory_space<vmem>>
        tpu.vector_store_idx %scatter3A_678[%convert_element_type3A_604], %broadcast_in_dim3A_36 {add = true} : memref<256xf32, #tpu.memory_space<vmem>>[vector<16xi32>], vector<16xf32>,
        %add3A_679 = arith.constant 1536 : i32
        %add3A_680 = arith.addi %select_n3A_318, %add3A_679 : i32
        %scatter3A_681 = tpu.memref_slice %arg7[%add3A_680] : memref<4096xf32, #tpu.memory_space<vmem>> -> memref<256xf32, #tpu.memory_space<vmem>>
        tpu.vector_store_idx %scatter3A_681[%convert_element_type3A_617], %broadcast_in_dim3A_36 {add = true} : memref<256xf32, #tpu.memory_space<vmem>>[vector<16xi32>], vector<16xf32>,
        %add3A_682 = arith.constant 2048 : i32
        %add3A_683 = arith.addi %select_n3A_318, %add3A_682 : i32
        %scatter3A_684 = tpu.memref_slice %arg7[%add3A_683] : memref<4096xf32, #tpu.memory_space<vmem>> -> memref<256xf32, #tpu.memory_space<vmem>>
        tpu.vector_store_idx %scatter3A_684[%convert_element_type3A_630], %broadcast_in_dim3A_36 {add = true} : memref<256xf32, #tpu.memory_space<vmem>>[vector<16xi32>], vector<16xf32>,
        %add3A_685 = arith.constant 2560 : i32
        %add3A_686 = arith.addi %select_n3A_318, %add3A_685 : i32
        %scatter3A_687 = tpu.memref_slice %arg7[%add3A_686] : memref<4096xf32, #tpu.memory_space<vmem>> -> memref<256xf32, #tpu.memory_space<vmem>>
        tpu.vector_store_idx %scatter3A_687[%convert_element_type3A_643], %broadcast_in_dim3A_36 {add = true} : memref<256xf32, #tpu.memory_space<vmem>>[vector<16xi32>], vector<16xf32>,
        %add3A_688 = arith.constant 3072 : i32
        %add3A_689 = arith.addi %select_n3A_318, %add3A_688 : i32
        %scatter3A_690 = tpu.memref_slice %arg7[%add3A_689] : memref<4096xf32, #tpu.memory_space<vmem>> -> memref<256xf32, #tpu.memory_space<vmem>>
        tpu.vector_store_idx %scatter3A_690[%convert_element_type3A_656], %broadcast_in_dim3A_36 {add = true} : memref<256xf32, #tpu.memory_space<vmem>>[vector<16xi32>], vector<16xf32>,
        %add3A_691 = arith.constant 3584 : i32
        %add3A_692 = arith.addi %select_n3A_318, %add3A_691 : i32
        %scatter3A_693 = tpu.memref_slice %arg7[%add3A_692] : memref<4096xf32, #tpu.memory_space<vmem>> -> memref<256xf32, #tpu.memory_space<vmem>>
        tpu.vector_store_idx %scatter3A_693[%convert_element_type3A_669], %broadcast_in_dim3A_36 {add = true} : memref<256xf32, #tpu.memory_space<vmem>>[vector<16xi32>], vector<16xf32>,
        scf.yield %get3A_530, %get3A_535, %get3A_540, %get3A_545, %get3A_550, %get3A_555, %get3A_560, %get3A_565 : vector<16xf32>, vector<16xf32>, vector<16xf32>, vector<16xf32>, vector<16xf32>, vector<16xf32>, vector<16xf32>, vector<16xf32>
      }
      %scan3A_356 = arith.constant 255 : i32
      %mul3A_357 = arith.constant 2.550000e+02 : f32
      %mul3A_358 = vector.broadcast %mul3A_357 : f32 to vector<16xf32>
      %mul3A_359 = arith.mulf %scan3A_355#0, %mul3A_358 : vector<16xf32>
      %div3A_360 = arith.constant 2.550000e+02 : f32
      %div3A_361 = vector.broadcast %div3A_360 : f32 to vector<16xf32>
      %div3A_362 = arith.divf %mul3A_359, %div3A_361 : vector<16xf32>
      %mul3A_363 = arith.constant 2.560000e+02 : f32
      %mul3A_364 = vector.broadcast %mul3A_363 : f32 to vector<16xf32>
      %mul3A_365 = arith.mulf %div3A_362, %mul3A_364 : vector<16xf32>
      %min3A_366 = arith.constant 2.550000e+02 : f32
      %min3A_367 = vector.broadcast %min3A_366 : f32 to vector<16xf32>
      %min3A_368 = arith.minimumf %mul3A_365, %min3A_367 : vector<16xf32>
      %convert_element_type3A_369 = arith.fptosi %min3A_368 : vector<16xf32> to vector<16xi32>
      %mul3A_370 = arith.constant 2.550000e+02 : f32
      %mul3A_371 = vector.broadcast %mul3A_370 : f32 to vector<16xf32>
      %mul3A_372 = arith.mulf %scan3A_355#1, %mul3A_371 : vector<16xf32>
      %div3A_373 = arith.constant 2.550000e+02 : f32
      %div3A_374 = vector.broadcast %div3A_373 : f32 to vector<16xf32>
      %div3A_375 = arith.divf %mul3A_372, %div3A_374 : vector<16xf32>
      %mul3A_376 = arith.constant 2.560000e+02 : f32
      %mul3A_377 = vector.broadcast %mul3A_376 : f32 to vector<16xf32>
      %mul3A_378 = arith.mulf %div3A_375, %mul3A_377 : vector<16xf32>
      %min3A_379 = arith.constant 2.550000e+02 : f32
      %min3A_380 = vector.broadcast %min3A_379 : f32 to vector<16xf32>
      %min3A_381 = arith.minimumf %mul3A_378, %min3A_380 : vector<16xf32>
      %convert_element_type3A_382 = arith.fptosi %min3A_381 : vector<16xf32> to vector<16xi32>
      %mul3A_383 = arith.constant 2.550000e+02 : f32
      %mul3A_384 = vector.broadcast %mul3A_383 : f32 to vector<16xf32>
      %mul3A_385 = arith.mulf %scan3A_355#2, %mul3A_384 : vector<16xf32>
      %div3A_386 = arith.constant 2.550000e+02 : f32
      %div3A_387 = vector.broadcast %div3A_386 : f32 to vector<16xf32>
      %div3A_388 = arith.divf %mul3A_385, %div3A_387 : vector<16xf32>
      %mul3A_389 = arith.constant 2.560000e+02 : f32
      %mul3A_390 = vector.broadcast %mul3A_389 : f32 to vector<16xf32>
      %mul3A_391 = arith.mulf %div3A_388, %mul3A_390 : vector<16xf32>
      %min3A_392 = arith.constant 2.550000e+02 : f32
      %min3A_393 = vector.broadcast %min3A_392 : f32 to vector<16xf32>
      %min3A_394 = arith.minimumf %mul3A_391, %min3A_393 : vector<16xf32>
      %convert_element_type3A_395 = arith.fptosi %min3A_394 : vector<16xf32> to vector<16xi32>
      %mul3A_396 = arith.constant 2.550000e+02 : f32
      %mul3A_397 = vector.broadcast %mul3A_396 : f32 to vector<16xf32>
      %mul3A_398 = arith.mulf %scan3A_355#3, %mul3A_397 : vector<16xf32>
      %div3A_399 = arith.constant 2.550000e+02 : f32
      %div3A_400 = vector.broadcast %div3A_399 : f32 to vector<16xf32>
      %div3A_401 = arith.divf %mul3A_398, %div3A_400 : vector<16xf32>
      %mul3A_402 = arith.constant 2.560000e+02 : f32
      %mul3A_403 = vector.broadcast %mul3A_402 : f32 to vector<16xf32>
      %mul3A_404 = arith.mulf %div3A_401, %mul3A_403 : vector<16xf32>
      %min3A_405 = arith.constant 2.550000e+02 : f32
      %min3A_406 = vector.broadcast %min3A_405 : f32 to vector<16xf32>
      %min3A_407 = arith.minimumf %mul3A_404, %min3A_406 : vector<16xf32>
      %convert_element_type3A_408 = arith.fptosi %min3A_407 : vector<16xf32> to vector<16xi32>
      %mul3A_409 = arith.constant 2.550000e+02 : f32
      %mul3A_410 = vector.broadcast %mul3A_409 : f32 to vector<16xf32>
      %mul3A_411 = arith.mulf %scan3A_355#4, %mul3A_410 : vector<16xf32>
      %div3A_412 = arith.constant 2.550000e+02 : f32
      %div3A_413 = vector.broadcast %div3A_412 : f32 to vector<16xf32>
      %div3A_414 = arith.divf %mul3A_411, %div3A_413 : vector<16xf32>
      %mul3A_415 = arith.constant 2.560000e+02 : f32
      %mul3A_416 = vector.broadcast %mul3A_415 : f32 to vector<16xf32>
      %mul3A_417 = arith.mulf %div3A_414, %mul3A_416 : vector<16xf32>
      %min3A_418 = arith.constant 2.550000e+02 : f32
      %min3A_419 = vector.broadcast %min3A_418 : f32 to vector<16xf32>
      %min3A_420 = arith.minimumf %mul3A_417, %min3A_419 : vector<16xf32>
      %convert_element_type3A_421 = arith.fptosi %min3A_420 : vector<16xf32> to vector<16xi32>
      %mul3A_422 = arith.constant 2.550000e+02 : f32
      %mul3A_423 = vector.broadcast %mul3A_422 : f32 to vector<16xf32>
      %mul3A_424 = arith.mulf %scan3A_355#5, %mul3A_423 : vector<16xf32>
      %div3A_425 = arith.constant 2.550000e+02 : f32
      %div3A_426 = vector.broadcast %div3A_425 : f32 to vector<16xf32>
      %div3A_427 = arith.divf %mul3A_424, %div3A_426 : vector<16xf32>
      %mul3A_428 = arith.constant 2.560000e+02 : f32
      %mul3A_429 = vector.broadcast %mul3A_428 : f32 to vector<16xf32>
      %mul3A_430 = arith.mulf %div3A_427, %mul3A_429 : vector<16xf32>
      %min3A_431 = arith.constant 2.550000e+02 : f32
      %min3A_432 = vector.broadcast %min3A_431 : f32 to vector<16xf32>
      %min3A_433 = arith.minimumf %mul3A_430, %min3A_432 : vector<16xf32>
      %convert_element_type3A_434 = arith.fptosi %min3A_433 : vector<16xf32> to vector<16xi32>
      %mul3A_435 = arith.constant 2.550000e+02 : f32
      %mul3A_436 = vector.broadcast %mul3A_435 : f32 to vector<16xf32>
      %mul3A_437 = arith.mulf %scan3A_355#6, %mul3A_436 : vector<16xf32>
      %div3A_438 = arith.constant 2.550000e+02 : f32
      %div3A_439 = vector.broadcast %div3A_438 : f32 to vector<16xf32>
      %div3A_440 = arith.divf %mul3A_437, %div3A_439 : vector<16xf32>
      %mul3A_441 = arith.constant 2.560000e+02 : f32
      %mul3A_442 = vector.broadcast %mul3A_441 : f32 to vector<16xf32>
      %mul3A_443 = arith.mulf %div3A_440, %mul3A_442 : vector<16xf32>
      %min3A_444 = arith.constant 2.550000e+02 : f32
      %min3A_445 = vector.broadcast %min3A_444 : f32 to vector<16xf32>
      %min3A_446 = arith.minimumf %mul3A_443, %min3A_445 : vector<16xf32>
      %convert_element_type3A_447 = arith.fptosi %min3A_446 : vector<16xf32> to vector<16xi32>
      %mul3A_448 = arith.constant 2.550000e+02 : f32
      %mul3A_449 = vector.broadcast %mul3A_448 : f32 to vector<16xf32>
      %mul3A_450 = arith.mulf %scan3A_355#7, %mul3A_449 : vector<16xf32>
      %div3A_451 = arith.constant 2.550000e+02 : f32
      %div3A_452 = vector.broadcast %div3A_451 : f32 to vector<16xf32>
      %div3A_453 = arith.divf %mul3A_450, %div3A_452 : vector<16xf32>
      %mul3A_454 = arith.constant 2.560000e+02 : f32
      %mul3A_455 = vector.broadcast %mul3A_454 : f32 to vector<16xf32>
      %mul3A_456 = arith.mulf %div3A_453, %mul3A_455 : vector<16xf32>
      %min3A_457 = arith.constant 2.550000e+02 : f32
      %min3A_458 = vector.broadcast %min3A_457 : f32 to vector<16xf32>
      %min3A_459 = arith.minimumf %mul3A_456, %min3A_458 : vector<16xf32>
      %convert_element_type3A_460 = arith.fptosi %min3A_459 : vector<16xf32> to vector<16xi32>
      %add3A_461 = arith.constant 0 : i32
      %add3A_462 = arith.addi %select_n3A_318, %add3A_461 : i32
      %scatter3A_463 = tpu.memref_slice %arg7[%add3A_462] : memref<4096xf32, #tpu.memory_space<vmem>> -> memref<256xf32, #tpu.memory_space<vmem>>
      tpu.vector_store_idx %scatter3A_463[%convert_element_type3A_369], %broadcast_in_dim3A_36 {add = true} : memref<256xf32, #tpu.memory_space<vmem>>[vector<16xi32>], vector<16xf32>,
      %add3A_464 = arith.constant 512 : i32
      %add3A_465 = arith.addi %select_n3A_318, %add3A_464 : i32
      %scatter3A_466 = tpu.memref_slice %arg7[%add3A_465] : memref<4096xf32, #tpu.memory_space<vmem>> -> memref<256xf32, #tpu.memory_space<vmem>>
      tpu.vector_store_idx %scatter3A_466[%convert_element_type3A_382], %broadcast_in_dim3A_36 {add = true} : memref<256xf32, #tpu.memory_space<vmem>>[vector<16xi32>], vector<16xf32>,
      %add3A_467 = arith.constant 1024 : i32
      %add3A_468 = arith.addi %select_n3A_318, %add3A_467 : i32
      %scatter3A_469 = tpu.memref_slice %arg7[%add3A_468] : memref<4096xf32, #tpu.memory_space<vmem>> -> memref<256xf32, #tpu.memory_space<vmem>>
      tpu.vector_store_idx %scatter3A_469[%convert_element_type3A_395], %broadcast_in_dim3A_36 {add = true} : memref<256xf32, #tpu.memory_space<vmem>>[vector<16xi32>], vector<16xf32>,
      %add3A_470 = arith.constant 1536 : i32
      %add3A_471 = arith.addi %select_n3A_318, %add3A_470 : i32
      %scatter3A_472 = tpu.memref_slice %arg7[%add3A_471] : memref<4096xf32, #tpu.memory_space<vmem>> -> memref<256xf32, #tpu.memory_space<vmem>>
      tpu.vector_store_idx %scatter3A_472[%convert_element_type3A_408], %broadcast_in_dim3A_36 {add = true} : memref<256xf32, #tpu.memory_space<vmem>>[vector<16xi32>], vector<16xf32>,
      %add3A_473 = arith.constant 2048 : i32
      %add3A_474 = arith.addi %select_n3A_318, %add3A_473 : i32
      %scatter3A_475 = tpu.memref_slice %arg7[%add3A_474] : memref<4096xf32, #tpu.memory_space<vmem>> -> memref<256xf32, #tpu.memory_space<vmem>>
      tpu.vector_store_idx %scatter3A_475[%convert_element_type3A_421], %broadcast_in_dim3A_36 {add = true} : memref<256xf32, #tpu.memory_space<vmem>>[vector<16xi32>], vector<16xf32>,
      %add3A_476 = arith.constant 2560 : i32
      %add3A_477 = arith.addi %select_n3A_318, %add3A_476 : i32
      %scatter3A_478 = tpu.memref_slice %arg7[%add3A_477] : memref<4096xf32, #tpu.memory_space<vmem>> -> memref<256xf32, #tpu.memory_space<vmem>>
      tpu.vector_store_idx %scatter3A_478[%convert_element_type3A_434], %broadcast_in_dim3A_36 {add = true} : memref<256xf32, #tpu.memory_space<vmem>>[vector<16xi32>], vector<16xf32>,
      %add3A_479 = arith.constant 3072 : i32
      %add3A_480 = arith.addi %select_n3A_318, %add3A_479 : i32
      %scatter3A_481 = tpu.memref_slice %arg7[%add3A_480] : memref<4096xf32, #tpu.memory_space<vmem>> -> memref<256xf32, #tpu.memory_space<vmem>>
      tpu.vector_store_idx %scatter3A_481[%convert_element_type3A_447], %broadcast_in_dim3A_36 {add = true} : memref<256xf32, #tpu.memory_space<vmem>>[vector<16xi32>], vector<16xf32>,
      %add3A_482 = arith.constant 3584 : i32
      %add3A_483 = arith.addi %select_n3A_318, %add3A_482 : i32
      %scatter3A_484 = tpu.memref_slice %arg7[%add3A_483] : memref<4096xf32, #tpu.memory_space<vmem>> -> memref<256xf32, #tpu.memory_space<vmem>>
      tpu.vector_store_idx %scatter3A_484[%convert_element_type3A_460], %broadcast_in_dim3A_36 {add = true} : memref<256xf32, #tpu.memory_space<vmem>>[vector<16xi32>], vector<16xf32>,
      %add3A_485 = arith.constant 2 : i32
      %add3A_486 = arith.addi %add3A_307, %add3A_485 : i32
      %ge3A_487 = arith.constant 12 : i32
      %ge3A_488 = arith.cmpi sge, %add3A_486, %ge3A_487 : i32
      %convert_element_type3A_489 = arith.extui %ge3A_488 : i1 to i32
      %mul3A_490 = arith.constant 12 : i32
      %mul3A_491 = arith.muli %mul3A_490, %convert_element_type3A_489 : i32
      %sub3A_492 = arith.subi %add3A_486, %mul3A_491 : i32
      %mul3A_493 = arith.constant 64 : i32
      %mul3A_494 = arith.muli %sub3A_492, %mul3A_493 : i32
      %add3A_495 = arith.addi %mul3A_2, %mul3A_494 : i32
      %lt3A_496 = arith.constant 12 : i32
      %lt3A_497 = arith.cmpi slt, %add3A_486, %lt3A_496 : i32
      %convert_element_type3A_498 = arith.extui %lt3A_497 : i1 to i32
      %cond3A_499 = arith.constant 0 : i32
      %cond3A_500 = arith.cmpi ne, %convert_element_type3A_498, %cond3A_499 : i32
      scf.if %cond3A_500 {
        %dma_start3A = arith.constant 0 : i32
        %dma_start3A_510 = tpu.memref_slice %arg2[%add3A_495, %dma_start3A] : memref<24576x512xf32, #tpu.memory_space<hbm>> -> memref<64x512xf32, #tpu.memory_space<hbm>>
        %dma_start3A_511 = arith.constant 0 : i32
        %dma_start3A_512 = tpu.memref_slice %arg2[%add3A_495, %dma_start3A_511] : memref<24576x512xf32, #tpu.memory_space<hbm>> -> memref<64x512xf32, #tpu.memory_space<hbm>>
        tpu.enqueue_dma source(%dma_start3A_512 : memref<64x512xf32, #tpu.memory_space<hbm>>) target(%arg6 : memref<64x512xf32, #tpu.memory_space<vmem>>) target_semaphore(%arg9 : memref<!tpu.dma_semaphore, #tpu.memory_space<semaphore_mem>>)
      } else {
      }
      %ge3A_501 = arith.constant 12 : i32
      %ge3A_502 = arith.cmpi sge, %add3A_486, %ge3A_501 : i32
      %lt3A_503 = arith.constant 24 : i32
      %lt3A_504 = arith.cmpi slt, %add3A_486, %lt3A_503 : i32
      %and3A_505 = arith.andi %ge3A_502, %lt3A_504 : i1
      %convert_element_type3A_506 = arith.extui %and3A_505 : i1 to i32
      %cond3A_507 = arith.constant 0 : i32
      %cond3A_508 = arith.cmpi ne, %convert_element_type3A_506, %cond3A_507 : i32
      scf.if %cond3A_508 {
        %dma_start3A = arith.constant 0 : i32
        %dma_start3A_510 = tpu.memref_slice %arg3[%add3A_495, %dma_start3A] : memref<24576x512xf32, #tpu.memory_space<hbm>> -> memref<64x512xf32, #tpu.memory_space<hbm>>
        %dma_start3A_511 = arith.constant 0 : i32
        %dma_start3A_512 = tpu.memref_slice %arg3[%add3A_495, %dma_start3A_511] : memref<24576x512xf32, #tpu.memory_space<hbm>> -> memref<64x512xf32, #tpu.memory_space<hbm>>
        tpu.enqueue_dma source(%dma_start3A_512 : memref<64x512xf32, #tpu.memory_space<hbm>>) target(%arg6 : memref<64x512xf32, #tpu.memory_space<vmem>>) target_semaphore(%arg9 : memref<!tpu.dma_semaphore, #tpu.memory_space<semaphore_mem>>)
      } else {
      }
      %scan3A_509 = arith.constant 0 : i32
      scf.yield %scan3A_509 : i32
    }
    %scan3A_102 = arith.constant 12 : i32
    "tpu.region"() ({
      %run_scoped3A = tpu.sem_alloc : memref<!tpu.dma_semaphore, #tpu.memory_space<semaphore_mem>>
      %dma_start3A = arith.constant 0 : i32
      %dma_start3A_103 = tpu.memref_slice %arg4[%add3A_35, %dma_start3A] : memref<32x4096xf32, #tpu.memory_space<hbm>> -> memref<1x4096xf32, #tpu.memory_space<hbm>>
      %dma_start3A_104 = tpu.memref_squeeze %dma_start3A_103 : memref<1x4096xf32, #tpu.memory_space<hbm>> -> memref<4096xf32, #tpu.memory_space<hbm>>
      %dma_start3A_105 = arith.constant 0 : i32
      %dma_start3A_106 = tpu.memref_slice %arg4[%add3A_35, %dma_start3A_105] : memref<32x4096xf32, #tpu.memory_space<hbm>> -> memref<1x4096xf32, #tpu.memory_space<hbm>>
      %dma_start3A_107 = tpu.memref_squeeze %dma_start3A_106 : memref<1x4096xf32, #tpu.memory_space<hbm>> -> memref<4096xf32, #tpu.memory_space<hbm>>
      tpu.enqueue_dma source(%arg7 : memref<4096xf32, #tpu.memory_space<vmem>>) target(%dma_start3A_107 : memref<4096xf32, #tpu.memory_space<hbm>>) target_semaphore(%run_scoped3A : memref<!tpu.dma_semaphore, #tpu.memory_space<semaphore_mem>>)
      %dma_wait3A = arith.constant 0 : i32
      %dma_wait3A_108 = tpu.memref_slice %arg4[%add3A_35, %dma_wait3A] : memref<32x4096xf32, #tpu.memory_space<hbm>> -> memref<1x4096xf32, #tpu.memory_space<hbm>>
      %dma_wait3A_109 = tpu.memref_squeeze %dma_wait3A_108 : memref<1x4096xf32, #tpu.memory_space<hbm>> -> memref<4096xf32, #tpu.memory_space<hbm>>
      %dma_wait3A_110 = arith.constant 0 : i32
      %dma_wait3A_111 = tpu.memref_slice %arg4[%add3A_35, %dma_wait3A_110] : memref<32x4096xf32, #tpu.memory_space<hbm>> -> memref<1x4096xf32, #tpu.memory_space<hbm>>
      %dma_wait3A_112 = tpu.memref_squeeze %dma_wait3A_111 : memref<1x4096xf32, #tpu.memory_space<hbm>> -> memref<4096xf32, #tpu.memory_space<hbm>>
      tpu.wait_dma2 semaphore(%run_scoped3A : memref<!tpu.dma_semaphore, #tpu.memory_space<semaphore_mem>>) src(%arg7 : memref<4096xf32, #tpu.memory_space<vmem>>) dst(%dma_wait3A_112 : memref<4096xf32, #tpu.memory_space<hbm>>)
      tpu.yield
    }) : () -> ()
    return
  }
}

module attributes {stable_mosaic.version = 14 : i64} {
  func.func @_loss_body(%arg0: memref<32x4096xf32, #tpu.memory_space<vmem>>, %arg1: memref<1x1xf32, #tpu.memory_space<vmem>>) attributes {dimension_semantics = [], scalar_prefetch = 0 : i64, scratch_operands = 0 : i64, tpu.core_type = #tpu.core_type<tc>} {
    %get3A = arith.constant 0 : index
    %get3A_0 = arith.constant 0 : index
    %get3A_1 = vector.load %arg0[%get3A, %get3A_0] : memref<32x4096xf32, #tpu.memory_space<vmem>>, vector<32x4096xf32>
    %slice3A = vector.extract_strided_slice %get3A_1 {offsets = [0, 0], sizes = [32, 512], strides = [1, 1]} : vector<32x4096xf32> to vector<32x512xf32>
    %slice3A_2 = vector.extract_strided_slice %get3A_1 {offsets = [0, 512], sizes = [32, 512], strides = [1, 1]} : vector<32x4096xf32> to vector<32x512xf32>
    %add3A = arith.addf %slice3A, %slice3A_2 : vector<32x512xf32>
    %slice3A_3 = vector.extract_strided_slice %get3A_1 {offsets = [0, 1024], sizes = [32, 512], strides = [1, 1]} : vector<32x4096xf32> to vector<32x512xf32>
    %add3A_4 = arith.addf %add3A, %slice3A_3 : vector<32x512xf32>
    %slice3A_5 = vector.extract_strided_slice %get3A_1 {offsets = [0, 1536], sizes = [32, 512], strides = [1, 1]} : vector<32x4096xf32> to vector<32x512xf32>
    %add3A_6 = arith.addf %add3A_4, %slice3A_5 : vector<32x512xf32>
    %slice3A_7 = vector.extract_strided_slice %get3A_1 {offsets = [0, 2048], sizes = [32, 512], strides = [1, 1]} : vector<32x4096xf32> to vector<32x512xf32>
    %add3A_8 = arith.addf %add3A_6, %slice3A_7 : vector<32x512xf32>
    %slice3A_9 = vector.extract_strided_slice %get3A_1 {offsets = [0, 2560], sizes = [32, 512], strides = [1, 1]} : vector<32x4096xf32> to vector<32x512xf32>
    %add3A_10 = arith.addf %add3A_8, %slice3A_9 : vector<32x512xf32>
    %slice3A_11 = vector.extract_strided_slice %get3A_1 {offsets = [0, 3072], sizes = [32, 512], strides = [1, 1]} : vector<32x4096xf32> to vector<32x512xf32>
    %add3A_12 = arith.addf %add3A_10, %slice3A_11 : vector<32x512xf32>
    %slice3A_13 = vector.extract_strided_slice %get3A_1 {offsets = [0, 3584], sizes = [32, 512], strides = [1, 1]} : vector<32x4096xf32> to vector<32x512xf32>
    %add3A_14 = arith.addf %add3A_12, %slice3A_13 : vector<32x512xf32>
    %slice3A_15 = vector.extract_strided_slice %add3A_14 {offsets = [0, 0], sizes = [16, 512], strides = [1, 1]} : vector<32x512xf32> to vector<16x512xf32>
    %slice3A_16 = vector.extract_strided_slice %add3A_14 {offsets = [16, 0], sizes = [16, 512], strides = [1, 1]} : vector<32x512xf32> to vector<16x512xf32>
    %add3A_17 = arith.addf %slice3A_15, %slice3A_16 : vector<16x512xf32>
    %div3A = arith.constant 7.864320e+05 : f32
    %div3A_18 = vector.broadcast %div3A : f32 to vector<16x512xf32>
    %div3A_19 = arith.divf %add3A_17, %div3A_18 : vector<16x512xf32>
    %sqrt3A = math.sqrt %div3A_19 : vector<16x512xf32>
    %slice3A_20 = vector.extract_strided_slice %sqrt3A {offsets = [0, 0], sizes = [16, 256], strides = [1, 1]} : vector<16x512xf32> to vector<16x256xf32>
    %slice3A_21 = vector.extract_strided_slice %sqrt3A {offsets = [0, 256], sizes = [16, 256], strides = [1, 1]} : vector<16x512xf32> to vector<16x256xf32>
    %sub3A = arith.subf %slice3A_20, %slice3A_21 : vector<16x256xf32>
    %reduce_sum3A = vector.shape_cast %sub3A : vector<16x256xf32> to vector<1x16x256xf32>
    %reduce_sum3A_22 = arith.constant dense<0.000000e+00> : vector<1xf32>
    %reduce_sum3A_23 = vector.multi_reduction <add>, %reduce_sum3A, %reduce_sum3A_22 [1, 2] : vector<1x16x256xf32> to vector<1xf32>
    %reduce_sum3A_24 = vector.shape_cast %reduce_sum3A_23 : vector<1xf32> to vector<1x1x1xf32>
    %reduce_sum3A_25 = vector.extract %reduce_sum3A_24[0, 0, 0] : f32 from vector<1x1x1xf32>
    %mul3A = arith.mulf %reduce_sum3A_25, %reduce_sum3A_25 : f32
    %jit3A = arith.constant 0.000000e+00 : f32
    %jit3A_26 = arith.constant 1.000000e+00 : f32
    %max3A = arith.maximumf %jit3A, %mul3A : f32
    %min3A = arith.minimumf %jit3A_26, %max3A : f32
    %reshape3A = vector.broadcast %min3A : f32 to vector<1x1xf32>
    %swap3A = arith.constant 0 : index
    %swap3A_27 = arith.constant 0 : index
    %swap3A_28 = vector.load %arg1[%swap3A, %swap3A_27] : memref<1x1xf32, #tpu.memory_space<vmem>>, vector<1x1xf32>
    tpu.vector_store %arg1[%swap3A, %swap3A_27], %reshape3A {strides = array<i32>} : memref<1x1xf32, #tpu.memory_space<vmem>>, vector<1x1xf32>,
    return
  }
}

</mosaic_0001>

<sc_bundles>
// kernel: kernel.4.cloned.1.call-start
scs
__scs_entry_jumppad:
0x0: {  	(pc) =	sbr.rel $0x88, $3  }
0x1: {  	(tag) =	ssettag $0x0;
	lr =	simm.s32 $0x1  }
0x2: {  	[smem:$0x3F9F] =	sst lr;
	_ =	strace $0xD0000000  }
0x3: {  	_ = 	snop  }
0x4: {  	_ = 	snop  }
0x5: {  	_ = 	snop  }
0x6: {  	_ = 	snop  }
0x7: {  	_ = 	snop  }
__scs_overlays_trampoline_lowered:
0x8: {  	[smem:$0x3FAE] =	sst s0  }
0x9: {  	[smem:$0x3FAF] =	sst s1  }
0xa: {  	[smem:$0x3FB0] =	sst s2  }
0xb: {  	[smem:$0x3FB1] =	sst s3  }
0xc: {  	[smem:$0x3FB2] =	sst s4  }
0xd: {  	[smem:$0x3FB3] =	sst s5  }
0xe: {  	[smem:$0x3FB4] =	sst s6  }
0xf: {  	[smem:$0x3FB5] =	sst s7  }
0x10: {  	[smem:$0x3FB6] =	sst s8  }
0x11: {  	[smem:$0x3FB7] =	sst s9;
	s0 =	simm.s32 @!p0 $0x0  }
0x12: {  	s1 =	sld [smem:$0x3F9D];
	s0 =	simm.s32 @p0 $0x1  }
0x13: {  	[smem:$0x3FB8] =	sst s0;
	s0 =	simm.s32 @!p1 $0x0  }
0x14: {  	s2 =	sld [smem:$0x3F9C];
	s0 =	simm.s32 @p1 $0x1  }
0x15: {  	[smem:$0x3FB9] =	sst s0;
	s0 =	simm.s32 @!p2 $0x0  }
0x16: {  	s3 =	sld [smem:$0x3FDB];
	s0 =	simm.s32 @p2 $0x1  }
0x17: {  	s4 =	simm.s32 $0x1BF5;
	[smem:$0x3FBB] =	sst s0  }
0x18: {  	s0 =	sld [smem:$0x3F9E];
	_ =	swait.ge [sflag:s4], $0x0  }
0x19: {  	s7 =	sld [smem:$0x3F9F]  }
0x1a: {  	s8 =	sadd.s32 $0xFFFFE003, lr  }
0x1b: {  	s9 =	sadd.s32 $0xFFFFFEF7, lr;
	s5 =	simm.s32 $0xFFFFFFFF;
	p2 =	slt.u32 s8, $0xFFFFF086  }
0x1c: {  	p1 =	slt.u32 s9, $0xF7A;
	s5 =	simm.s32 @!p2 $0x0  }
0x1d: {  	s5 =	simm.s32 @p1 $0x1;
	p0 =	seq.s32 s7, s2  }
0x1e: {  	s7 =	smul.u32 @!p0 $0xF7A, s2;
	p2 =	seq.s32 @!p0 s5, $0x0  }
0x1f: {  	s9 =	smul.u32 $0xF7A, s1;
	s8 =	simm.s32 @!p0 $0x1BF5;
	p2 =	por !p2, p0  }
0x20: {  	[sflag:s8] =	ssyncset.s32 @!p0 $0xFFFFF086;
	s6 =	sadd.s32 @!p0 s3, s7;
	s7 =	simm.s32 @!p0 $0x108  }
0x21: {  	s3 =	sadd.s32 s3, s9;
	s6 =	sadd.s32 @!p0 $0x88, s6;
	s7 =	simm.s32 @p2 $0x1082  }
0x22: {  	[simem:s7], [sflag:s8] =	dma.local @!p0 [hbm:s6], $0xF7A  }
0x23: {  	s9 =	sor.u32 $0xD0000000, s2;
	s6 =	simm.s32 $0x108;
	_ =	swait.ge @!p0 [sflag:s8], $0x0  }
0x24: {  	s3 =	sadd.s32 $0x88, s3;
	s6 =	simm.s32 @!p1 $0x1082;
	[sflag:s4] =	ssyncset.s32 $0xFFFFF086  }
0x25: {  	[simem:s6], [sflag:s4] =	dma.local [hbm:s3], $0xF7A  }
0x26: {  	[smem:$0x3F9F] =	sst s1;
	(tag) =	ssettag s2;
	_ =	strace s9  }
0x27: {  	s1 =	sld [smem:$0x3FAF]  }
0x28: {  	s2 =	sld [smem:$0x3FB0]  }
0x29: {  	s4 =	sld [smem:$0x3FB2]  }
0x2a: {  	p0 =	seq.s32 s5, $0x0;
	s5 =	sld [smem:$0x3FB3]  }
0x2b: {  	s6 =	sld [smem:$0x3FB4]  }
0x2c: {  	s7 =	sld [smem:$0x3FB5]  }
0x2d: {  	s3 =	simm.s32 $0x108;
	s8 =	sld [smem:$0x3FB6]  }
0x2e: {  	s3 =	simm.s32 @!p0 $0x1082;
	s9 =	sld [smem:$0x3FB7]  }
0x2f: {  	lr =	sadd.s32 s0, s3;
	s0 =	sld [smem:$0x3FAE]  }
0x30: {  	s3 =	sld [smem:$0x3FB1]  }
0x31: {  	[smem:$0x3FBA] =	sst s10  }
0x32: {  	s10 =	sld [smem:$0x3FB8];
	_ =	sdelay $0x3  }
0x33: {  	p0 =	seq.s32 s10, $0x1;
	s10 =	sld [smem:$0x3FBA];
	_ =	sdelay $0x3  }
0x34: {  	[smem:$0x3FBA] =	sst s10  }
0x35: {  	s10 =	sld [smem:$0x3FB9];
	_ =	sdelay $0x3  }
0x36: {  	p1 =	seq.s32 s10, $0x1;
	s10 =	sld [smem:$0x3FBA];
	_ =	sdelay $0x3  }
0x37: {  	[smem:$0x3FBA] =	sst s10  }
0x38: {  	s10 =	sld [smem:$0x3FBB]  }
0x39: {  	_ = 	snop;
	(pc) =	sbr.ind lr, $3  }
0x3a: {  	_ = 	snop  }
0x3b: {  	_ = 	snop  }
0x3c: {  	p2 =	seq.s32 s10, $0x1;
	s10 =	sld [smem:$0x3FBA]  }
0x3d: {  	_ =	shalt  }
0x3e: {  	_ =	shalt  }
0x3f: {  	_ =	shalt  }
0x40: {  	_ =	shalt  }
0x41: {  	_ =	shalt  }
0x42: {  	_ =	shalt  }
0x43: {  	_ =	shalt  }
0x44: {  	_ =	shalt  }
0x45: {  	_ =	shalt  }
0x46: {  	_ =	shalt  }
0x47: {  	_ =	shalt  }
0x48: {  	_ =	shalt  }
0x49: {  	_ =	shalt  }
0x4a: {  	_ =	shalt  }
0x4b: {  	_ =	shalt  }
0x4c: {  	_ =	shalt  }
0x4d: {  	_ =	shalt  }
0x4e: {  	_ =	shalt  }
0x4f: {  	_ =	shalt  }
0x50: {  	_ =	shalt  }
0x51: {  	_ =	shalt  }
0x52: {  	_ =	shalt  }
0x53: {  	_ =	shalt  }
0x54: {  	_ =	shalt  }
0x55: {  	_ =	shalt  }
0x56: {  	_ =	shalt  }
0x57: {  	_ =	shalt  }
0x58: {  	_ =	shalt  }
0x59: {  	_ =	shalt  }
0x5a: {  	_ =	shalt  }
0x5b: {  	_ =	shalt  }
0x5c: {  	_ =	shalt  }
0x5d: {  	_ =	shalt  }
0x5e: {  	_ =	shalt  }
0x5f: {  	_ =	shalt  }
0x60: {  	_ =	shalt  }
0x61: {  	_ =	shalt  }
0x62: {  	_ =	shalt  }
0x63: {  	_ =	shalt  }
0x64: {  	_ =	shalt  }
0x65: {  	_ =	shalt  }
0x66: {  	_ =	shalt  }
0x67: {  	_ =	shalt  }
0x68: {  	_ =	shalt  }
0x69: {  	_ =	shalt  }
0x6a: {  	_ =	shalt  }
0x6b: {  	_ =	shalt  }
0x6c: {  	_ =	shalt  }
0x6d: {  	_ =	shalt  }
0x6e: {  	_ =	shalt  }
0x6f: {  	_ =	shalt  }
0x70: {  	_ =	shalt  }
0x71: {  	_ =	shalt  }
0x72: {  	_ =	shalt  }
0x73: {  	_ =	shalt  }
0x74: {  	_ =	shalt  }
0x75: {  	_ =	shalt  }
0x76: {  	_ =	shalt  }
0x77: {  	_ =	shalt  }
0x78: {  	_ =	shalt  }
0x79: {  	_ =	shalt  }
0x7a: {  	_ =	shalt  }
0x7b: {  	_ =	shalt  }
0x7c: {  	_ =	shalt  }
0x7d: {  	_ =	shalt  }
0x7e: {  	_ =	shalt  }
0x7f: {  	_ =	shalt  }
0x80: {  	_ =	shalt  }
0x81: {  	_ =	shalt  }
0x82: {  	_ =	shalt  }
0x83: {  	_ =	shalt  }
0x84: {  	_ =	shalt  }
0x85: {  	_ =	shalt  }
0x86: {  	_ =	shalt  }
0x87: {  	_ =	shalt  }
.Lfunc_end0:
.L_simem_size_0:
called_computation_lowered:
.L_overlay_start_0:
0x88: {  	s2 =	sld [smem:$0x3FD9]  }
0x89: {  	s3 =	sld [smem:$0x3FFE];
	_ =	sdelay $0x1  }
0x8a: {  	s1 =	srdreg.scid  }
0x8b: {  	s0 =	sand.u32 $0x1, s1  }
0x8c: {  	s17 =	sshll.u32 s0, $0xA;
	s2 =	sadd.s32 s3, s2  }
0x8d: {  	s2 =	sadd.s32 s2, s17  }
0x8e: {  	[smem:$0x3FC6] =	sst s2  }
0x8f: {  	_ = 	snop  }
0x90: {  	s2 =	sld [smem:$0x3FC9]  }
0x91: {  	s18 =	sld [smem:$0x3FC8];
	(tm) =	ssettm $0x1  }
0x92: {  	s4 =	sld [smem:$0x3FFB];
	_ =	sdelay $0x3  }
0x93: {  	_ =	strace s4  }
0x94: {  	s4 =	sld [smem:$0x3FFC];
	_ =	sdelay $0x3  }
0x95: {  	_ =	strace s4  }
0x96: {  	s4 =	sld [smem:$0x3FFD];
	_ =	sdelay $0x3  }
0x97: {  	_ =	strace s4  }
0x98: {  	_ =	strace $0x8FFFFFFF  }
0x99: {  	s19 =	sld [smem:$0x3FDB];
	_ =	sdelay $0x1  }
0x9a: {  	s5 =	simm.s32 $_scs_section_size  }
0x9b: {  	s6 =	simm.s32 $_size__tile_overlayer_lowered;
	s7 =	simm.s32 $_tile_overlayer_lowered  }
0x9c: {  	s22 =	simm.s32 $0x1BFF;
	s21 =	sshll.u32 s7, $0x1;
	s4 =	sadd.s32 s5, s19  }
0x9d: {  	s8 =	simm.s32 $0x0;
	s20 =	sshll.u32 s6, $0x1;
	s6 =	sadd.s32 s21, s4  }
0x9e: {  	[timem:s8], [sflag:s22] =	dma.local [hbm:s6], s20  }
0x9f: {  	_ =	swait.ge [sflag:s22], s20  }
0xa0: {  	s5 =	ssub.s32 $0x0, s20;
	[sflag:s22] =	ssyncset.done $0x0  }
0xa1: {  	[sflag:s22] =	ssyncadd.s32 s5;
	_ =	sdelay $0x1  }
0xa2: {  	s23 =	simm.s32 $0x1B8B  }
0xa3: {  	_ =	swait.ge [sflag:s23], $0x1  }
0xa4: {  	[sflag:s23] =	ssyncset.done $0x0  }
0xa5: {  	s25 =	simm.s32 $0x1B8E;
	s24 =	sld [smem:$0x3FFE];
	[sflag:s23] =	ssyncadd.s32 $0xFFFFFFFF  }
0xa6: {  	s26 =	simm.s32 $execute0_lowered;
	[smem:$0x3FD2] =	sst s25  }
0xa7: {  	s6 =	sshll.u32 s26, $0x1;
	_ =	strace $0x80000046;
	[dreg:$0x1] =	wrdreg $0xFFFFFFFF  }
0xa8: {  	s28 =	simm.s32 $_size_execute0_lowered;
	s4 =	sadd.s32 s4, s6;
	[dreg:$0x0] =	wrdreg $0x0  }
0xa9: {  	s6 =	sshll.u32 s28, $0x1;
	[dreg:$0x2] =	wrdreg s4  }
0xaa: {  	[dreg:$0x3] =	wrdreg s6  }
0xab: {  	[dreg:$0x4] =	wrdreg $0xC0  }
0xac: {  	_ =	task [dreg:s8], $0x5FFFF  }
0xad: {  	[dreg:$0x1] =	wrdreg $0xFFFFFFFF  }
0xae: {  	[dreg:$0x0] =	wrdreg $0x60  }
0xaf: {  	[dreg:$0x2] =	wrdreg s2  }
0xb0: {  	[dreg:$0x3] =	wrdreg s18  }
0xb1: {  	[dreg:$0x4] =	wrdreg s24  }
0xb2: {  	[dreg:$0x5] =	wrdreg $0x9  }
0xb3: {  	_ =	task.clear_ibuf [dreg:s8], $0x6FFFF;
	_ =	strace $0x90000046  }
0xb4: {  	s29 =	simm.s32 $0x9;
	_ =	strace $0x80000048  }
0xb5: {  	_ =	swait.ge [sflag:s29], $0x1  }
0xb6: {  	[sflag:s29] =	ssyncadd.s32 $0xFFFFFFFF  }
0xb7: {  	_ =	strace $0x90000048  }
0xb8: {  	_ =	sfence  }
0xb9: {  	s30 =	sld [smem:$0x0];
	_ =	sdelay $0x2  }
0xba: {  	s31 =	sshll.u32 s1, $0xD;
	s1 =	sshrl.u32 s1, $0x2  }
0xbb: {  	s3 =	sand.u32 $0x4000, s31;
	s1 =	sadd.s32 s1, s30  }
0xbc: {  	s0 =	sor.u32 s3, s0;
	s1 =	sshll.u32 s1, $0x11  }
0xbd: {  	s0 =	sor.u32 s1, s0  }
0xbe: {  	s0 =	sadd.s32 $0x8F2B, s0  }
0xbf: {  	[sflag:s0] =	ssyncadd.remote.s32 $0x1  }
0xc0: {  	_ =	sfence.sel $0xFFFF  }
0xc1: {  	[dreg:$0x0] =	wrdreg $0xFFFFFFFF;
	(pc) =	sbr.abs _section_cstart, $3  }
0xc2: {  	[dreg:$0x1] =	wrdreg $0xFFFFFFFF  }
0xc3: {  	_ =	task.clear_ibuf [dreg:s8], $0x2FFFF;
	_ =	strace $0x9FFFFFFF  }
0xc4: {  	(tm) =	ssettm $0x7FFFFFFF  }
0xc5: {  	_ =	shalt  }
tec
execute0_lowered:
.L_overlay_start_1:
0x0: {  	(tag) =	ssettag $0x1  }
0x1: {  	s2 =	srdreg.scid;
	s0 =	stileid.u32  }
0x2: {  	s1 =	rddreg [dreg:$0x0];
	s2 =	sand.u32 $0x1, s2;
	s4 =	sshll.u32 s0, $0x1  }
0x3: {  	s3 =	rddreg [dreg:$0x1];
	s5 =	sor.u32 s2, s4;
	s4 =	simm.s32 $0x0  }
0x4: {  	p0 =	seq.s32 s2, $0x1;
	p1 =	seq.s32 s5, $0x0;
	[smem:$0x7FF] =	sst s4  }
0x5: {  	s6 =	rddreg [dreg:$0x2];
	v0 =	vimm.f32 $2.550000000e+02;
	p0 =	por !p1, !p0;
	_ =	strace $0x80000047  }
0x6: {  	s7 =	simm.s32 $0x1;
	p0 =	por !p0, !p0;
	(erf) = vrcp.f32 v0  }
0x7: {  	s10 =	simm.s32 $0x8000;
	s7 =	simm.s32 @!p0 $0x0  }
0x8: {  	s11 =	simm.s32 $0x2;
	s12 =	simm.s32 $0x80;
	s7 =	ssub.s32 s0, s7  }
0x9: {  	s13 =	simm.s32 $0x400;
	s8 =	sshll.u32 s2, $0x10;
	s9 =	sshll.u32 s7, $0xC  }
0xa: {  	s14 =	simm.s32 $0x10000;
	s7 =	sshll.u32 s7, $0x7;
	s8 =	sadd.s32 s8, s9  }
0xb: {  	s15 =	simm.s32 $0x3;
	s7 =	sand.u32 $0x380, s7;
	s8 =	sand.u32 $0xFFFF8000, s8  }
0xc: {  	s2 =	ssub.s32 $0x2, s2;
	s29 =	smul.u32 $0xC000, s5;
	s7 =	sor.u32 s7, s8  }
0xd: {  	s31 =	sshrl.u32 s2, $0x1;
	s5 =	smul.u32 $0x300, s5;
	s7 =	sshrl.u32 s7, $0x3  }
0xe: {  	s2 =	ssub.s32 s2, s31;
	s30 =	sadd.s32 s7, s6;
	s6 =	sadd.s32 s1, s29  }
0xf: {  	v1 =	vimm.f32 $0.0e+00;
	v2 =	vimm.f32 $1.000000000e+00;
	s9 =	smax.u32 s2, $0x1;
	s7 =	sadd.s32 $0x1000, s6;
	s8 =	sadd.s32 $0x600, s30;
	v0 =	vpop (erf)  }
.LBB2_1:
0x10: {  	s2 =	simm.s32 $0x40;
	s16 =	simm.s32 $0x0  }
.LBB2_2:
0x11: {  	p0 =	sne.s32 s2, $0x3FC0;
	[tilespmem:s16+$0x10000] =	vst v1;
	s16 =	smov.u32 s2;
	s2 =	sadd.s32 $0x40, s2  }
.Ltmp0:
0x12: {  	(pc) =	sbr.rel @p0 .LBB2_2-.Ltmp0, $2  }
0x13: {  	_ =	sdelay $0x2  }
0x14: {  	s16 =	sshra.s32 s16, $0x2  }
0x15: {  	[tilespmem:s16+$0x10000] =	vst v1;
	s16 =	simm.s32 $0x0  }
0x16: {  	[tilespmem:s16], [sflag:$0x1] =	stream.linear.gather [hbm4b:s6+s16], $0x8000, $0x38;
	[tilespmem:$0x11000] =	vst v63  }
0x17: {  	_ = 	snop  }
0x18: {  	[tilespmem:s10], [sflag:$0x2] =	stream.linear.gather [hbm4b:s7+s16], $0x8000, $0x38;
	[tilespmem:$0x11000] =	vst v63  }
.LBB2_4:
0x19: {  	s2 =	simm.s32 $0x1  }
0x1a: {  	_ =	swait.ge [sflag:s2], $0x8000  }
0x1b: {  	[sflag:s2] =	ssyncset.done $0x0  }
0x1c: {  	[sflag:s2] =	ssyncadd.s32 $0xFFFF8000  }
0x1d: {  	v3 =	vld [tilespmem:$0x20]  }
0x1e: {  	v4 =	vld [tilespmem:$0x10]  }
0x1f: {  	v5 =	vld [tilespmem:$0x30]  }
0x20: {  	v6 =	vld [tilespmem:$0x50]  }
0x21: {  	v7 =	vld [tilespmem:$0x40]  }
0x22: {  	v8 =	vld [tilespmem:$0x60]  }
0x23: {  	s25 =	simm.s32 $0x1000;
	v9 =	vld [tilespmem:$0x70]  }
0x24: {  	s17 =	simm.s32 $0x80;
	s2 =	sand.u32 $0x3000, s25;
	v10 =	vld [tilespmem:$0x0]  }
0x25: {  	s18 =	simm.s32 $0x20;
	s17 =	sand.u32 $0xF000, s17;
	s2 =	sshrl.u32 s2, $0x2;
	v3 =	vmul.f32 $2.550000000e+02, v3  }
0x26: {  	s18 =	sand.u32 $0x380, s18;
	s2 =	sor.u32 s2, s17;
	v5 =	vmul.f32 $2.550000000e+02, v5;
	v4 =	vmul.f32 $2.550000000e+02, v4  }
0x27: {  	s2 =	sor.u32 s18, s2;
	v6 =	vmul.f32 $2.550000000e+02, v6;
	v7 =	vmul.f32 $2.550000000e+02, v7  }
0x28: {  	v11 =	vld [tilespmem:s2+$0x20];
	v8 =	vmul.f32 $2.550000000e+02, v8;
	v9 =	vmul.f32 $2.550000000e+02, v9  }
0x29: {  	v14 =	vld [tilespmem:s2+$0x50];
	v10 =	vmul.f32 $2.550000000e+02, v10;
	v3 =	vmul.f32 v3, v0  }
0x2a: {  	v4 =	vmul.f32 v4, v0;
	v6 =	vmul.f32 v6, v0  }
0x2b: {  	v7 =	vmul.f32 v7, v0;
	v5 =	vmul.f32 v5, v0  }
0x2c: {  	v8 =	vmul.f32 v8, v0;
	v10 =	vmul.f32 v10, v0  }
0x2d: {  	v9 =	vmul.f32 v9, v0;
	v11 =	vmul.f32 $2.550000000e+02, v11  }
0x2e: {  	v14 =	vmul.f32 $2.550000000e+02, v14;
	v3 =	vmul.f32 $2.560000000e+02, v3  }
0x2f: {  	v6 =	vmul.f32 $2.560000000e+02, v6;
	v5 =	vmul.f32 $2.560000000e+02, v5  }
0x30: {  	v7 =	vmul.f32 $2.560000000e+02, v7;
	v4 =	vmul.f32 $2.560000000e+02, v4  }
0x31: {  	v8 =	vmul.f32 $2.560000000e+02, v8;
	v10 =	vmul.f32 $2.560000000e+02, v10  }
0x32: {  	v9 =	vmul.f32 $2.560000000e+02, v9;
	v11 =	vmul.f32 v11, v0  }
0x33: {  	v6 =	vmin.f32 v6, $2.550000000e+02;
	v3 =	vmin.f32 v3, $2.550000000e+02;
	v4 =	vmin.f32 v4, $2.550000000e+02  }
0x34: {  	v10 =	vmin.f32 v10, $2.550000000e+02;
	v6 =	vtrunc.f32 v6;
	v3 =	vtrunc.f32 v3  }
0x35: {  	v4 =	vtrunc.f32 v4;
	v10 =	vtrunc.f32 v10  }
0x36: {  	v15 =	vld [tilespmem:s2+$0x40];
	v13 =	vcvt.f32.s32 v6;
	v6 =	vmin.f32 v8, $2.550000000e+02;
	v12 =	vcvt.f32.s32 v3  }
0x37: {  	v9 =	vmin.f32 v9, $2.550000000e+02;
	v8 =	vld [tilespmem:s2+$0x30];
	v10 =	vcvt.f32.s32 v10;
	v6 =	vtrunc.f32 v6  }
0x38: {  	v5 =	vmin.f32 v5, $2.550000000e+02;
	v4 =	vcvt.f32.s32 v4;
	v3 =	vcvt.f32.s32 v6;
	v6 =	vld [tilespmem:s2+$0x10]  }
0x39: {  	v16 =	vld [tilespmem:s2+$0x60];
	v7 =	vmin.f32 v7, $2.550000000e+02;
	v9 =	vtrunc.f32 v9;
	v5 =	vtrunc.f32 v5  }
0x3a: {  	p0 =	slt.u32 s16, $0x6;
	s24 =	simm.s32 $0x0;
	v11 =	vmul.f32 $2.560000000e+02, v11;
	v7 =	vtrunc.f32 v7  }
0x3b: {  	s24 =	simm.s32 @!p0 $0x100;
	v17 =	vld [tilespmem:s2+$0x70];
	v5 =	vcvt.f32.s32 v5;
	v18 =	vcvt.f32.s32 v7  }
0x3c: {  	s17 =	sor.u32 $0x10000, s24;
	v19 =	vld [tilespmem:s2+$0x0];
	v7 =	vmul.f32 $2.550000000e+02, v15;
	v8 =	vmul.f32 $2.550000000e+02, v8  }
0x3d: {  	s18 =	sor.u32 $0x10200, s24;
	[tilespmem:v10+s17+$0x0] =	vst.idx.add.f32.msk $0xffff, v2;
	v10 =	vmul.f32 v14, v0;
	v6 =	vmul.f32 $2.550000000e+02, v6  }
0x3e: {  	s19 =	sor.u32 $0x10400, s24;
	[tilespmem:v4+s18+$0x0] =	vst.idx.add.f32.msk $0xffff, v2;
	v4 =	vmul.f32 v7, v0;
	v7 =	vmul.f32 $2.550000000e+02, v16  }
0x3f: {  	s26 =	simm.s32 $0x2000;
	[tilespmem:v12+s19+$0x0] =	vst.idx.add.f32.msk $0xffff, v2;
	v12 =	vmul.f32 v8, v0;
	v10 =	vmul.f32 $2.560000000e+02, v10  }
0x40: {  	s29 =	simm.s32 $0x3000;
	s30 =	simm.s32 $0x40;
	s20 =	sor.u32 $0x10600, s24;
	v20 =	vmul.f32 v6, v0;
	v6 =	vcvt.f32.s32 v9  }
0x41: {  	s22 =	sor.u32 $0x10800, s24;
	s23 =	sor.u32 $0x10A00, s24;
	s21 =	sor.u32 $0x10C00, s24;
	v8 =	vmul.f32 $2.550000000e+02, v17;
	[tilespmem:v5+s20+$0x0] =	vst.idx.add.f32.msk $0xffff, v2;
	v9 =	vmul.f32 v7, v0  }
0x42: {  	s25 =	simm.s32 $0x2;
	s2 =	sand.u32 $0x3000, s26;
	s26 =	simm.s32 $0x100;
	v7 =	vmin.f32 v11, $2.550000000e+02;
	v4 =	vmul.f32 $2.560000000e+02, v4;
	v11 =	vmul.f32 $2.550000000e+02, v19;
	[tilespmem:v18+s22+$0x0] =	vst.idx.add.f32.msk $0xffff, v2  }
0x43: {  	s24 =	sor.u32 $0x10E00, s24;
	s28 =	sand.u32 $0xF000, s26;
	s31 =	sshrl.u32 s2, $0x2;
	v5 =	vmul.f32 $2.560000000e+02, v12;
	v12 =	vmin.f32 v10, $2.550000000e+02;
	v10 =	vmul.f32 $2.560000000e+02, v20;
	[tilespmem:v13+s23+$0x0] =	vst.idx.add.f32.msk $0xffff, v2  }
.LBB2_5:
0x44: {  	s2 =	sand.u32 $0x380, s30  }
0x45: {  	s30 =	sor.u32 s31, s28;
	v12 =	vtrunc.f32 v12;
	v9 =	vmul.f32 $2.560000000e+02, v9;
	[tilespmem:v3+s21+$0x0] =	vst.idx.add.f32.msk $0xffff, v2;
	s28 =	smov.u32 s29;
	s26 =	sadd.s32 $0x1000, s29  }
0x46: {  	p0 =	sne.s32 s29, $0xFF000;
	v8 =	vmul.f32 v8, v0;
	s2 =	sor.u32 s2, s30;
	v3 =	vmul.f32 v11, v0;
	v10 =	vmin.f32 v10, $2.550000000e+02;
	[tilespmem:v6+s24+$0x0] =	vst.idx.add.f32.msk $0xffff, v2  }
0x47: {  	v7 =	vtrunc.f32 v7;
	v13 =	vcvt.f32.s32 v12;
	v6 =	vld [tilespmem:s2+$0x20];
	v9 =	vmin.f32 v9, $2.550000000e+02  }
0x48: {  	v11 =	vld [tilespmem:s2+$0x30];
	v12 =	vmul.f32 $2.560000000e+02, v3;
	v3 =	vtrunc.f32 v9  }
0x49: {  	v14 =	vcvt.f32.s32 v7;
	v9 =	vld [tilespmem:s2+$0x10];
	v3 =	vcvt.f32.s32 v3  }
0x4a: {  	v10 =	vtrunc.f32 v10;
	v8 =	vmul.f32 $2.560000000e+02, v8;
	v15 =	vld [tilespmem:s2+$0x40];
	v7 =	vmin.f32 v12, $2.550000000e+02  }
0x4b: {  	v10 =	vcvt.f32.s32 v10;
	v7 =	vtrunc.f32 v7  }
0x4c: {  	v6 =	vmul.f32 $2.550000000e+02, v6;
	v12 =	vld [tilespmem:s2+$0x50];
	v16 =	vcvt.f32.s32 v7;
	v7 =	vmin.f32 v8, $2.550000000e+02  }
0x4d: {  	v5 =	vmin.f32 v5, $2.550000000e+02;
	v8 =	vmul.f32 $2.550000000e+02, v11;
	v11 =	vtrunc.f32 v7  }
0x4e: {  	v4 =	vmin.f32 v4, $2.550000000e+02;
	v5 =	vtrunc.f32 v5;
	v6 =	vmul.f32 v6, v0  }
0x4f: {  	v5 =	vcvt.f32.s32 v5;
	v7 =	vmul.f32 $2.550000000e+02, v9;
	v9 =	vld [tilespmem:s2+$0x60]  }
0x50: {  	v4 =	vtrunc.f32 v4;
	v6 =	vmul.f32 $2.560000000e+02, v6;
	v17 =	vld [tilespmem:s2+$0x70]  }
0x51: {  	v19 =	vcvt.f32.s32 v4;
	v12 =	vmul.f32 $2.550000000e+02, v12;
	v18 =	vld [tilespmem:s2+$0x0]  }
0x52: {  	v4 =	vmul.f32 $2.550000000e+02, v15;
	v20 =	vmul.f32 v7, v0;
	v7 =	vmin.f32 v6, $2.550000000e+02;
	[tilespmem:v16+s17+$0x0] =	vst.idx.add.f32.msk $0xffff, v2  }
0x53: {  	v6 =	vcvt.f32.s32 v11;
	v12 =	vmul.f32 v12, v0;
	[tilespmem:v10+s18+$0x0] =	vst.idx.add.f32.msk $0xffff, v2  }
.Ltmp1:
0x54: {  	v4 =	vmul.f32 v4, v0;
	v9 =	vmul.f32 $2.550000000e+02, v9;
	[tilespmem:v14+s19+$0x0] =	vst.idx.add.f32.msk $0xffff, v2;
	(pc) =	sbr.rel @p0 .LBB2_5-.Ltmp1, $4  }
0x55: {  	s25 =	sadd.s32 $0x1, s25;
	v10 =	vmul.f32 v8, v0;
	v11 =	vmul.f32 $2.560000000e+02, v12;
	[tilespmem:v5+s20+$0x0] =	vst.idx.add.f32.msk $0xffff, v2  }
0x56: {  	v8 =	vmul.f32 $2.550000000e+02, v17;
	v9 =	vmul.f32 v9, v0  }
0x57: {  	s30 =	sshll.u32 s25, $0x5;
	s2 =	sand.u32 $0x3000, s28;
	s28 =	sshll.u32 s25, $0x7;
	v4 =	vmul.f32 $2.560000000e+02, v4;
	v5 =	vmul.f32 $2.560000000e+02, v10;
	v12 =	vmin.f32 v11, $2.550000000e+02;
	[tilespmem:v19+s22+$0x0] =	vst.idx.add.f32.msk $0xffff, v2  }
0x58: {  	s29 =	smov.u32 s26;
	s28 =	sand.u32 $0xF000, s28;
	s31 =	sshrl.u32 s2, $0x2;
	v10 =	vmul.f32 $2.560000000e+02, v20;
	v11 =	vmul.f32 $2.550000000e+02, v18;
	[tilespmem:v13+s23+$0x0] =	vst.idx.add.f32.msk $0xffff, v2  }
0x59: {  	_ =	sdelay $0x2  }
0x5a: {  	v12 =	vtrunc.f32 v12;
	v9 =	vmul.f32 $2.560000000e+02, v9  }
0x5b: {  	s2 =	sand.u32 $0x380, s30;
	s25 =	sor.u32 s31, s28;
	[tilespmem:v3+s21+$0x0] =	vst.idx.add.f32.msk $0xffff, v2;
	v8 =	vmul.f32 v8, v0;
	v5 =	vmin.f32 v5, $2.550000000e+02;
	v3 =	vmul.f32 v11, v0  }
0x5c: {  	v4 =	vmin.f32 v4, $2.550000000e+02;
	s2 =	sor.u32 s2, s25;
	[tilespmem:v6+s24+$0x0] =	vst.idx.add.f32.msk $0xffff, v2;
	v6 =	vtrunc.f32 v7;
	v7 =	vcvt.f32.s32 v12  }
0x5d: {  	v10 =	vmin.f32 v10, $2.550000000e+02;
	v5 =	vtrunc.f32 v5;
	v4 =	vtrunc.f32 v4;
	v11 =	vld [tilespmem:s2+$0x0]  }
0x5e: {  	v6 =	vcvt.f32.s32 v6;
	v10 =	vtrunc.f32 v10;
	v12 =	vld [tilespmem:s2+$0x10]  }
0x5f: {  	v8 =	vmul.f32 $2.560000000e+02, v8;
	v13 =	vld [tilespmem:s2+$0x20];
	v5 =	vcvt.f32.s32 v5  }
0x60: {  	v9 =	vmin.f32 v9, $2.550000000e+02;
	v14 =	vld [tilespmem:s2+$0x30];
	v4 =	vcvt.f32.s32 v4;
	v3 =	vmul.f32 $2.560000000e+02, v3  }
0x61: {  	v15 =	vld [tilespmem:s2+$0x40];
	v9 =	vtrunc.f32 v9;
	v10 =	vcvt.f32.s32 v10  }
0x62: {  	v16 =	vld [tilespmem:s2+$0x50];
	v9 =	vcvt.f32.s32 v9;
	v8 =	vmin.f32 v8, $2.550000000e+02;
	v3 =	vmin.f32 v3, $2.550000000e+02  }
0x63: {  	v8 =	vtrunc.f32 v8;
	v3 =	vtrunc.f32 v3  }
0x64: {  	v8 =	vcvt.f32.s32 v8;
	v3 =	vcvt.f32.s32 v3  }
0x65: {  	v11 =	vmul.f32 $2.550000000e+02, v11;
	v12 =	vmul.f32 $2.550000000e+02, v12  }
0x66: {  	v18 =	vld [tilespmem:s2+$0x70];
	v13 =	vmul.f32 $2.550000000e+02, v13;
	v14 =	vmul.f32 $2.550000000e+02, v14  }
0x67: {  	v15 =	vmul.f32 $2.550000000e+02, v15;
	v16 =	vmul.f32 $2.550000000e+02, v16  }
0x68: {  	v17 =	vld [tilespmem:s2+$0x60];
	v11 =	vmul.f32 v11, v0;
	v12 =	vmul.f32 v12, v0  }
0x69: {  	v13 =	vmul.f32 v13, v0;
	v14 =	vmul.f32 v14, v0  }
0x6a: {  	v11 =	vmul.f32 $2.560000000e+02, v11;
	v12 =	vmul.f32 $2.560000000e+02, v12  }
0x6b: {  	v60 =	vmul.f32 $2.550000000e+02, v18;
	v13 =	vmul.f32 $2.560000000e+02, v13  }
0x6c: {  	v14 =	vmul.f32 $2.560000000e+02, v14;
	v11 =	vmin.f32 v11, $2.550000000e+02;
	v12 =	vmin.f32 v12, $2.550000000e+02  }
0x6d: {  	v13 =	vmin.f32 v13, $2.550000000e+02;
	[tilespmem:v3+s17+$0x0] =	vst.idx.add.f32.msk $0xffff, v2;
	v3 =	vmul.f32 v15, v0;
	v15 =	vmul.f32 $2.550000000e+02, v17  }
0x6e: {  	v14 =	vmin.f32 v14, $2.550000000e+02;
	v11 =	vtrunc.f32 v11;
	v12 =	vtrunc.f32 v12  }
0x6f: {  	v13 =	vtrunc.f32 v13;
	v14 =	vtrunc.f32 v14  }
0x70: {  	[tilespmem:v10+s18+$0x0] =	vst.idx.add.f32.msk $0xffff, v2;
	v10 =	vmul.f32 v16, v0;
	v11 =	vcvt.f32.s32 v11  }
0x71: {  	v12 =	vcvt.f32.s32 v12;
	v13 =	vcvt.f32.s32 v13  }
0x72: {  	[tilespmem:v6+s19+$0x0] =	vst.idx.add.f32.msk $0xffff, v2;
	v3 =	vmul.f32 $2.560000000e+02, v3;
	v6 =	vmul.f32 v15, v0  }
0x73: {  	[tilespmem:v5+s20+$0x0] =	vst.idx.add.f32.msk $0xffff, v2;
	v5 =	vmul.f32 $2.560000000e+02, v10;
	v10 =	vmul.f32 v60, v0  }
0x74: {  	[tilespmem:v4+s22+$0x0] =	vst.idx.add.f32.msk $0xffff, v2;
	v4 =	vcvt.f32.s32 v14;
	v3 =	vmin.f32 v3, $2.550000000e+02;
	v6 =	vmul.f32 $2.560000000e+02, v6  }
0x75: {  	[tilespmem:v7+s23+$0x0] =	vst.idx.add.f32.msk $0xffff, v2;
	v3 =	vtrunc.f32 v3;
	v5 =	vmin.f32 v5, $2.550000000e+02;
	v7 =	vmul.f32 $2.560000000e+02, v10  }
0x76: {  	[tilespmem:v9+s21+$0x0] =	vst.idx.add.f32.msk $0xffff, v2;
	v3 =	vcvt.f32.s32 v3;
	v5 =	vtrunc.f32 v5;
	v6 =	vmin.f32 v6, $2.550000000e+02  }
0x77: {  	[tilespmem:v8+s24+$0x0] =	vst.idx.add.f32.msk $0xffff, v2;
	v5 =	vcvt.f32.s32 v5;
	v6 =	vtrunc.f32 v6;
	v7 =	vmin.f32 v7, $2.550000000e+02  }
0x78: {  	p0 =	sgt.u32 s16, $0x4;
	s2 =	simm.s32 $0x3FFFFF4;
	v6 =	vcvt.f32.s32 v6;
	v7 =	vtrunc.f32 v7;
	[tilespmem:v11+s17+$0x0] =	vst.idx.add.f32.msk $0xffff, v2  }
0x79: {  	s26 =	sshll.u32 s16, $0x1;
	s2 =	simm.s32 @!p0 $0x0;
	v7 =	vcvt.f32.s32 v7;
	[tilespmem:v12+s18+$0x0] =	vst.idx.add.f32.msk $0xffff, v2  }
0x7a: {  	s2 =	sadd.s32 s2, s26;
	[tilespmem:v13+s19+$0x0] =	vst.idx.add.f32.msk $0xffff, v2  }
0x7b: {  	s2 =	sshll.u32 s2, $0x6;
	[tilespmem:v4+s20+$0x0] =	vst.idx.add.f32.msk $0xffff, v2  }
0x7c: {  	s25 =	sadd.s32 s5, s2;
	[tilespmem:v3+s22+$0x0] =	vst.idx.add.f32.msk $0xffff, v2  }
0x7d: {  	s26 =	sadd.s32 $0xFFFFFFF6, s26;
	s2 =	sadd.s32 $0x80, s25;
	[tilespmem:v5+s23+$0x0] =	vst.idx.add.f32.msk $0xffff, v2  }
0x7e: {  	p1 =	sgt.u32 s26, $0xB;
	s28 =	sshll.u32 @!p0 s2, $0x6;
	[tilespmem:v6+s21+$0x0] =	vst.idx.add.f32.msk $0xffff, v2  }
0x7f: {  	s29 =	simm.s32 @!p0 $0x0;
	s2 =	sshll.u32 @!p1 s2, $0x6;
	s28 =	sadd.s32 @!p0 s1, s28;
	[tilespmem:v7+s24+$0x0] =	vst.idx.add.f32.msk $0xffff, v2  }
0x80: {  	[tilespmem:s29], [sflag:$0x1] =	stream.linear.gather @!p0 [hbm4b:s28+s29], $0x8000, $0x38;
	[tilespmem:$0x11000] =	vst v63  }
0x81: {  	s26 =	simm.s32 @!p1 $0x0;
	s2 =	sadd.s32 @!p1 s3, s2  }
0x82: {  	[tilespmem:s26], [sflag:$0x1] =	stream.linear.gather @!p1 [hbm4b:s2+s26], $0x8000, $0x38;
	[tilespmem:$0x11000] =	vst v63  }
0x83: {  	_ =	swait.ge [sflag:s11], $0x8000  }
0x84: {  	[sflag:s11] =	ssyncset.done $0x0  }
0x85: {  	[sflag:s11] =	ssyncadd.s32 $0xFFFF8000  }
0x86: {  	v3 =	vld [tilespmem:$0x8020]  }
0x87: {  	v4 =	vld [tilespmem:$0x8010]  }
0x88: {  	v5 =	vld [tilespmem:$0x8030]  }
0x89: {  	s26 =	simm.s32 $0x1000;
	v6 =	vld [tilespmem:$0x8050]  }
0x8a: {  	s28 =	simm.s32 $0x80;
	s2 =	sand.u32 $0x3000, s26;
	v7 =	vld [tilespmem:$0x8040]  }
0x8b: {  	s26 =	sand.u32 $0xF000, s28;
	s28 =	simm.s32 $0x20;
	s2 =	sshrl.u32 s2, $0x2;
	v8 =	vld [tilespmem:$0x8060]  }
0x8c: {  	s28 =	sand.u32 $0x380, s28;
	s2 =	sor.u32 s2, s26;
	v9 =	vld [tilespmem:$0x8070]  }
0x8d: {  	v10 =	vld [tilespmem:$0x8000];
	s2 =	sor.u32 s28, s2  }
0x8e: {  	v11 =	vld [tilespmem:s2+$0x8020]  }
0x8f: {  	v14 =	vld [tilespmem:s2+$0x8050]  }
0x90: {  	v3 =	vmul.f32 $2.550000000e+02, v3;
	v5 =	vmul.f32 $2.550000000e+02, v5  }
0x91: {  	v4 =	vmul.f32 $2.550000000e+02, v4;
	v6 =	vmul.f32 $2.550000000e+02, v6  }
0x92: {  	v7 =	vmul.f32 $2.550000000e+02, v7;
	v8 =	vmul.f32 $2.550000000e+02, v8  }
0x93: {  	v9 =	vmul.f32 $2.550000000e+02, v9;
	v10 =	vmul.f32 $2.550000000e+02, v10  }
0x94: {  	v11 =	vmul.f32 $2.550000000e+02, v11;
	v14 =	vmul.f32 $2.550000000e+02, v14  }
0x95: {  	v3 =	vmul.f32 v3, v0;
	v4 =	vmul.f32 v4, v0  }
0x96: {  	v6 =	vmul.f32 v6, v0;
	v7 =	vmul.f32 v7, v0  }
0x97: {  	v5 =	vmul.f32 v5, v0;
	v8 =	vmul.f32 v8, v0  }
0x98: {  	v10 =	vmul.f32 v10, v0;
	v9 =	vmul.f32 v9, v0  }
0x99: {  	v11 =	vmul.f32 v11, v0;
	v3 =	vmul.f32 $2.560000000e+02, v3  }
0x9a: {  	v6 =	vmul.f32 $2.560000000e+02, v6;
	v5 =	vmul.f32 $2.560000000e+02, v5  }
0x9b: {  	v7 =	vmul.f32 $2.560000000e+02, v7;
	v4 =	vmul.f32 $2.560000000e+02, v4  }
0x9c: {  	v8 =	vmul.f32 $2.560000000e+02, v8;
	v10 =	vmul.f32 $2.560000000e+02, v10  }
0x9d: {  	v9 =	vmul.f32 $2.560000000e+02, v9;
	v11 =	vmul.f32 $2.560000000e+02, v11  }
0x9e: {  	v6 =	vmin.f32 v6, $2.550000000e+02;
	v3 =	vmin.f32 v3, $2.550000000e+02;
	v4 =	vmin.f32 v4, $2.550000000e+02  }
0x9f: {  	v10 =	vmin.f32 v10, $2.550000000e+02;
	v6 =	vtrunc.f32 v6;
	v3 =	vtrunc.f32 v3  }
0xa0: {  	v4 =	vtrunc.f32 v4;
	v10 =	vtrunc.f32 v10  }
0xa1: {  	v15 =	vld [tilespmem:s2+$0x8040];
	v13 =	vcvt.f32.s32 v6;
	v6 =	vmin.f32 v8, $2.550000000e+02;
	v12 =	vcvt.f32.s32 v3  }
0xa2: {  	v8 =	vld [tilespmem:s2+$0x8030];
	v10 =	vcvt.f32.s32 v10;
	v6 =	vtrunc.f32 v6  }
0xa3: {  	v9 =	vmin.f32 v9, $2.550000000e+02;
	v4 =	vcvt.f32.s32 v4;
	v3 =	vcvt.f32.s32 v6;
	v6 =	vld [tilespmem:s2+$0x8010]  }
0xa4: {  	v61 =	vld [tilespmem:s2+$0x8060];
	v5 =	vmin.f32 v5, $2.550000000e+02;
	v7 =	vmin.f32 v7, $2.550000000e+02;
	v9 =	vtrunc.f32 v9  }
0xa5: {  	v5 =	vtrunc.f32 v5;
	v7 =	vtrunc.f32 v7  }
0xa6: {  	v62 =	vld [tilespmem:s2+$0x8070];
	v5 =	vcvt.f32.s32 v5;
	v63 =	vcvt.f32.s32 v7  }
0xa7: {  	v19 =	vld [tilespmem:s2+$0x8000];
	v7 =	vmul.f32 $2.550000000e+02, v15;
	v8 =	vmul.f32 $2.550000000e+02, v8  }
0xa8: {  	[tilespmem:v10+s17+$0x0] =	vst.idx.add.f32.msk $0xffff, v2;
	v10 =	vmul.f32 v14, v0;
	v6 =	vmul.f32 $2.550000000e+02, v6  }
0xa9: {  	[tilespmem:v4+s18+$0x0] =	vst.idx.add.f32.msk $0xffff, v2;
	v4 =	vmul.f32 v7, v0;
	v7 =	vmul.f32 $2.550000000e+02, v61  }
0xaa: {  	[tilespmem:v12+s19+$0x0] =	vst.idx.add.f32.msk $0xffff, v2;
	v12 =	vmul.f32 v8, v0;
	v10 =	vmul.f32 $2.560000000e+02, v10  }
0xab: {  	v20 =	vmul.f32 v6, v0;
	v6 =	vcvt.f32.s32 v9  }
0xac: {  	s30 =	simm.s32 $0x3000;
	s28 =	simm.s32 $0x2000;
	v8 =	vmul.f32 $2.550000000e+02, v62;
	[tilespmem:v5+s20+$0x0] =	vst.idx.add.f32.msk $0xffff, v2;
	v9 =	vmul.f32 v7, v0  }
0xad: {  	s31 =	simm.s32 $0x40;
	s2 =	sand.u32 $0x3000, s28;
	s28 =	simm.s32 $0x100;
	v7 =	vmin.f32 v11, $2.550000000e+02;
	v4 =	vmul.f32 $2.560000000e+02, v4;
	v11 =	vmul.f32 $2.550000000e+02, v19;
	[tilespmem:v63+s22+$0x0] =	vst.idx.add.f32.msk $0xffff, v2  }
0xae: {  	s26 =	simm.s32 $0x2;
	s29 =	sand.u32 $0xF000, s28;
	s2 =	sshrl.u32 s2, $0x2;
	v5 =	vmul.f32 $2.560000000e+02, v12;
	v12 =	vmin.f32 v10, $2.550000000e+02;
	v10 =	vmul.f32 $2.560000000e+02, v20;
	[tilespmem:v13+s23+$0x0] =	vst.idx.add.f32.msk $0xffff, v2  }
.LBB2_7:
0xaf: {  	s31 =	sand.u32 $0x380, s31  }
0xb0: {  	s2 =	sor.u32 s2, s29;
	v12 =	vtrunc.f32 v12;
	v9 =	vmul.f32 $2.560000000e+02, v9;
	[tilespmem:v3+s21+$0x0] =	vst.idx.add.f32.msk $0xffff, v2;
	s29 =	smov.u32 s30;
	s28 =	sadd.s32 $0x1000, s30  }
0xb1: {  	p2 =	sne.s32 s30, $0xFF000;
	v8 =	vmul.f32 v8, v0;
	s2 =	sor.u32 s31, s2;
	v3 =	vmul.f32 v11, v0;
	v10 =	vmin.f32 v10, $2.550000000e+02;
	[tilespmem:v6+s24+$0x0] =	vst.idx.add.f32.msk $0xffff, v2  }
0xb2: {  	v7 =	vtrunc.f32 v7;
	v13 =	vcvt.f32.s32 v12;
	v6 =	vld [tilespmem:s2+$0x8020];
	v9 =	vmin.f32 v9, $2.550000000e+02  }
0xb3: {  	v11 =	vld [tilespmem:s2+$0x8030];
	v12 =	vmul.f32 $2.560000000e+02, v3;
	v3 =	vtrunc.f32 v9  }
0xb4: {  	v14 =	vcvt.f32.s32 v7;
	v9 =	vld [tilespmem:s2+$0x8010];
	v3 =	vcvt.f32.s32 v3  }
0xb5: {  	v10 =	vtrunc.f32 v10;
	v8 =	vmul.f32 $2.560000000e+02, v8;
	v15 =	vld [tilespmem:s2+$0x8040];
	v7 =	vmin.f32 v12, $2.550000000e+02  }
0xb6: {  	v10 =	vcvt.f32.s32 v10;
	v7 =	vtrunc.f32 v7  }
0xb7: {  	v6 =	vmul.f32 $2.550000000e+02, v6;
	v12 =	vld [tilespmem:s2+$0x8050];
	v16 =	vcvt.f32.s32 v7;
	v7 =	vmin.f32 v8, $2.550000000e+02  }
0xb8: {  	v5 =	vmin.f32 v5, $2.550000000e+02;
	v8 =	vmul.f32 $2.550000000e+02, v11;
	v11 =	vtrunc.f32 v7  }
0xb9: {  	v4 =	vmin.f32 v4, $2.550000000e+02;
	v5 =	vtrunc.f32 v5;
	v6 =	vmul.f32 v6, v0  }
0xba: {  	v5 =	vcvt.f32.s32 v5;
	v7 =	vmul.f32 $2.550000000e+02, v9;
	v9 =	vld [tilespmem:s2+$0x8060]  }
0xbb: {  	v4 =	vtrunc.f32 v4;
	v6 =	vmul.f32 $2.560000000e+02, v6;
	v17 =	vld [tilespmem:s2+$0x8070]  }
0xbc: {  	v19 =	vcvt.f32.s32 v4;
	v12 =	vmul.f32 $2.550000000e+02, v12;
	v18 =	vld [tilespmem:s2+$0x8000]  }
0xbd: {  	v4 =	vmul.f32 $2.550000000e+02, v15;
	v20 =	vmul.f32 v7, v0;
	v7 =	vmin.f32 v6, $2.550000000e+02;
	[tilespmem:v16+s17+$0x0] =	vst.idx.add.f32.msk $0xffff, v2  }
0xbe: {  	v6 =	vcvt.f32.s32 v11;
	v12 =	vmul.f32 v12, v0;
	[tilespmem:v10+s18+$0x0] =	vst.idx.add.f32.msk $0xffff, v2  }
.Ltmp2:
0xbf: {  	v4 =	vmul.f32 v4, v0;
	v9 =	vmul.f32 $2.550000000e+02, v9;
	[tilespmem:v14+s19+$0x0] =	vst.idx.add.f32.msk $0xffff, v2;
	(pc) =	sbr.rel @p2 .LBB2_7-.Ltmp2, $4  }
0xc0: {  	s26 =	sadd.s32 $0x1, s26;
	v10 =	vmul.f32 v8, v0;
	v11 =	vmul.f32 $2.560000000e+02, v12;
	[tilespmem:v5+s20+$0x0] =	vst.idx.add.f32.msk $0xffff, v2  }
0xc1: {  	v8 =	vmul.f32 $2.550000000e+02, v17;
	v9 =	vmul.f32 v9, v0  }
0xc2: {  	s31 =	sshll.u32 s26, $0x5;
	s2 =	sand.u32 $0x3000, s29;
	s29 =	sshll.u32 s26, $0x7;
	v4 =	vmul.f32 $2.560000000e+02, v4;
	v5 =	vmul.f32 $2.560000000e+02, v10;
	v12 =	vmin.f32 v11, $2.550000000e+02;
	[tilespmem:v19+s22+$0x0] =	vst.idx.add.f32.msk $0xffff, v2  }
0xc3: {  	s30 =	smov.u32 s28;
	s29 =	sand.u32 $0xF000, s29;
	s2 =	sshrl.u32 s2, $0x2;
	v10 =	vmul.f32 $2.560000000e+02, v20;
	v11 =	vmul.f32 $2.550000000e+02, v18;
	[tilespmem:v13+s23+$0x0] =	vst.idx.add.f32.msk $0xffff, v2  }
0xc4: {  	_ =	sdelay $0x3  }
0xc5: {  	v12 =	vtrunc.f32 v12;
	s26 =	sand.u32 $0x380, s31;
	s2 =	sor.u32 s2, s29;
	v9 =	vmul.f32 $2.560000000e+02, v9;
	[tilespmem:v3+s21+$0x0] =	vst.idx.add.f32.msk $0xffff, v2  }
0xc6: {  	v8 =	vmul.f32 v8, v0;
	v52 =	vtrunc.f32 v7;
	v5 =	vmin.f32 v5, $2.550000000e+02;
	s2 =	sor.u32 s26, s2;
	[tilespmem:v6+s24+$0x0] =	vst.idx.add.f32.msk $0xffff, v2  }
0xc7: {  	v4 =	vmin.f32 v4, $2.550000000e+02;
	v3 =	vmul.f32 v11, v0;
	v53 =	vcvt.f32.s32 v12;
	v54 =	vld [tilespmem:s2+$0x8000]  }
0xc8: {  	v10 =	vmin.f32 v10, $2.550000000e+02;
	v6 =	vcvt.f32.s32 v52;
	v5 =	vtrunc.f32 v5;
	v55 =	vld [tilespmem:s2+$0x8010]  }
0xc9: {  	v4 =	vtrunc.f32 v4;
	v10 =	vtrunc.f32 v10;
	v13 =	vld [tilespmem:s2+$0x8020]  }
0xca: {  	v8 =	vmul.f32 $2.560000000e+02, v8;
	v14 =	vld [tilespmem:s2+$0x8030];
	v5 =	vcvt.f32.s32 v5  }
0xcb: {  	v9 =	vmin.f32 v9, $2.550000000e+02;
	v4 =	vcvt.f32.s32 v4;
	v15 =	vld [tilespmem:s2+$0x8040];
	v3 =	vmul.f32 $2.560000000e+02, v3  }
0xcc: {  	v16 =	vld [tilespmem:s2+$0x8050];
	v9 =	vtrunc.f32 v9;
	v10 =	vcvt.f32.s32 v10  }
0xcd: {  	v17 =	vld [tilespmem:s2+$0x8060];
	v9 =	vcvt.f32.s32 v9;
	v8 =	vmin.f32 v8, $2.550000000e+02;
	v3 =	vmin.f32 v3, $2.550000000e+02  }
0xce: {  	v18 =	vld [tilespmem:s2+$0x8070];
	v8 =	vtrunc.f32 v8;
	v3 =	vtrunc.f32 v3  }
0xcf: {  	v8 =	vcvt.f32.s32 v8;
	v3 =	vcvt.f32.s32 v3  }
0xd0: {  	v11 =	vmul.f32 $2.550000000e+02, v54;
	v12 =	vmul.f32 $2.550000000e+02, v55  }
0xd1: {  	v13 =	vmul.f32 $2.550000000e+02, v13;
	v14 =	vmul.f32 $2.550000000e+02, v14  }
0xd2: {  	v15 =	vmul.f32 $2.550000000e+02, v15;
	v16 =	vmul.f32 $2.550000000e+02, v16  }
0xd3: {  	v56 =	vmul.f32 $2.550000000e+02, v17;
	v58 =	vmul.f32 $2.550000000e+02, v18  }
0xd4: {  	v11 =	vmul.f32 v11, v0;
	v12 =	vmul.f32 v12, v0  }
0xd5: {  	v13 =	vmul.f32 v13, v0;
	v14 =	vmul.f32 v14, v0  }
0xd6: {  	v57 =	vmul.f32 v16, v0;
	v59 =	vmul.f32 v56, v0  }
0xd7: {  	v61 =	vmul.f32 v58, v0;
	v11 =	vmul.f32 $2.560000000e+02, v11  }
0xd8: {  	v12 =	vmul.f32 $2.560000000e+02, v12;
	v13 =	vmul.f32 $2.560000000e+02, v13  }
0xd9: {  	v14 =	vmul.f32 $2.560000000e+02, v14;
	v60 =	vmul.f32 $2.560000000e+02, v57  }
0xda: {  	v63 =	vmul.f32 $2.560000000e+02, v61;
	v11 =	vmin.f32 v11, $2.550000000e+02;
	v12 =	vmin.f32 v12, $2.550000000e+02  }
0xdb: {  	v13 =	vmin.f32 v13, $2.550000000e+02;
	[tilespmem:v3+s17+$0x0] =	vst.idx.add.f32.msk $0xffff, v2;
	v3 =	vmul.f32 v15, v0;
	v11 =	vtrunc.f32 v11  }
0xdc: {  	v12 =	vtrunc.f32 v12;
	v13 =	vtrunc.f32 v13;
	[tilespmem:v10+s18+$0x0] =	vst.idx.add.f32.msk $0xffff, v2  }
0xdd: {  	v14 =	vmin.f32 v14, $2.550000000e+02;
	v11 =	vcvt.f32.s32 v11;
	[tilespmem:v6+s19+$0x0] =	vst.idx.add.f32.msk $0xffff, v2;
	v3 =	vmul.f32 $2.560000000e+02, v3  }
0xde: {  	v14 =	vtrunc.f32 v14;
	v12 =	vcvt.f32.s32 v12;
	[tilespmem:v5+s20+$0x0] =	vst.idx.add.f32.msk $0xffff, v2  }
0xdf: {  	v13 =	vcvt.f32.s32 v13;
	v6 =	vmul.f32 $2.560000000e+02, v59;
	[tilespmem:v4+s22+$0x0] =	vst.idx.add.f32.msk $0xffff, v2;
	v3 =	vmin.f32 v3, $2.550000000e+02  }
0xe0: {  	v62 =	vcvt.f32.s32 v14;
	v5 =	vmin.f32 v60, $2.550000000e+02;
	[tilespmem:v53+s23+$0x0] =	vst.idx.add.f32.msk $0xffff, v2;
	v3 =	vtrunc.f32 v3  }
0xe1: {  	v5 =	vtrunc.f32 v5;
	v6 =	vmin.f32 v6, $2.550000000e+02;
	[tilespmem:v9+s21+$0x0] =	vst.idx.add.f32.msk $0xffff, v2;
	v3 =	vcvt.f32.s32 v3  }
0xe2: {  	v7 =	vmin.f32 v63, $2.550000000e+02;
	v5 =	vcvt.f32.s32 v5;
	v6 =	vtrunc.f32 v6;
	[tilespmem:v8+s24+$0x0] =	vst.idx.add.f32.msk $0xffff, v2  }
0xe3: {  	v7 =	vtrunc.f32 v7;
	v6 =	vcvt.f32.s32 v6;
	[tilespmem:v11+s17+$0x0] =	vst.idx.add.f32.msk $0xffff, v2  }
0xe4: {  	v7 =	vcvt.f32.s32 v7;
	[tilespmem:v12+s18+$0x0] =	vst.idx.add.f32.msk $0xffff, v2  }
0xe5: {  	[tilespmem:v13+s19+$0x0] =	vst.idx.add.f32.msk $0xffff, v2  }
0xe6: {  	[tilespmem:v62+s20+$0x0] =	vst.idx.add.f32.msk $0xffff, v2  }
0xe7: {  	[tilespmem:v3+s22+$0x0] =	vst.idx.add.f32.msk $0xffff, v2  }
0xe8: {  	s2 =	sadd.s32 $0xC0, s25;
	[tilespmem:v5+s23+$0x0] =	vst.idx.add.f32.msk $0xffff, v2  }
0xe9: {  	s16 =	sadd.s32 $0x1, s16;
	s17 =	sshll.u32 @!p0 s2, $0x6;
	[tilespmem:v6+s21+$0x0] =	vst.idx.add.f32.msk $0xffff, v2  }
0xea: {  	s17 =	sadd.s32 @!p0 s1, s17;
	s18 =	simm.s32 @!p0 $0x0;
	s19 =	simm.s32 @!p0 $0x8000;
	[tilespmem:v7+s24+$0x0] =	vst.idx.add.f32.msk $0xffff, v2  }
0xeb: {  	[tilespmem:s19], [sflag:$0x2] =	stream.linear.gather @!p0 [hbm4b:s17+s18], $0x8000, $0x38;
	[tilespmem:$0x11000] =	vst v63  }
0xec: {  	p0 =	sne.s32 s16, $0xC  }
.Ltmp3:
0xed: {  	_ = 	snop;
	(pc) =	sbr.rel @p0 .LBB2_4-.Ltmp3, $4  }
0xee: {  	_ = 	snop  }
0xef: {  	s2 =	sshll.u32 @!p1 s2, $0x6  }
0xf0: {  	s2 =	sadd.s32 @!p1 s3, s2;
	s17 =	simm.s32 @!p1 $0x0;
	s18 =	simm.s32 @!p1 $0x8000  }
0xf1: {  	[tilespmem:s18], [sflag:$0x2] =	stream.linear.gather @!p1 [hbm4b:s2+s17], $0x8000, $0x38;
	[tilespmem:$0x11000] =	vst v63  }
0xf2: {  	s4 =	sadd.s32 $0x1, s4  }
0xf3: {  	p0 =	sne.s32 s4, s9  }
.Ltmp4:
0xf4: {  	_ = 	snop;
	(pc) =	sbr.rel @p0 .LBB2_1-.Ltmp4, $4  }
0xf5: {  	[hbm4b:s8+s12] =	stream.strided.scatter [tilespmem:s14], [sflag:$0x3], $0x1000, s13, s12, $0x38;
	[tilespmem:$0x11000] =	vst v63  }
0xf6: {  	_ =	swait.ge [sflag:s15], $0x1000  }
0xf7: {  	[sflag:s15] =	ssyncset.done $0x0  }
0xf8: {  	[sflag:s15] =	ssyncadd.s32 $0xFFFFF000  }
0xf9: {  	_ =	sfence.sel $0x180000  }
0xfa: {  	[bflag:$0x0] =	sbarrier.arrive $0xFFFF  }
0xfb: {  	_ =	strace $0x90000047  }
0xfc: {  	[bflag:$0x2] =	sbarrier.arrive $0xFFFF  }
0xfd: {  	p0 =	sne.s32 s0, $0x0;
	s0 =	rddreg [dreg:$0x3]  }
0xfe: {  	s0 =	sadd.s32 @!p0 $0x100000, s0  }
0xff: {  	[sflag:s0] =	ssyncadd.tile.s32 @!p0 $0x1;
	_ =	shalt  }
.Lfunc_end2:
_tile_overlayer_lowered:
.L_overlay_start_2:
0x100: {  	(tag) =	ssettag $0x2  }
0x101: {  	s0 =	rddreg [dreg:$0x0];
	s2 =	stileid.u32  }
0x102: {  	s1 =	rddreg [dreg:$0x1];
	p0 =	sne.s32 s2, $0x0  }
0x103: {  	s3 =	rddreg [dreg:$0x2];
	[bflag:$0x3] =	sbarrier.arrive $0xFFFF;
	s2 =	simm.s32 @!p0 $0x1C03  }
0x104: {  	[timem:s3], [sflag:s2] =	dma.local @!p0 [hbm:s0], s1  }
0x105: {  	s0 =	simm.s32 @!p0 $0x3  }
0x106: {  	_ =	swait.ge @!p0 [sflag:s0], s1  }
0x107: {  	s1 =	ssub.s32 @!p0 $0x0, s1;
	[sflag:s0] =	ssyncset.done @!p0 $0x0  }
0x108: {  	[sflag:s0] =	ssyncadd.s32 @!p0 s1  }
0x109: {  	[bflag:$0x3] =	sbarrier.arrive $0xFFFF  }
0x10a: {  	_ =	shalt  }

</sc_bundles>
